<compile_context>
chip_gen: v7x
topology: tpu7x:2x2x1
jax: 0.10.2.dev20260603
libtpu: 0.0.44.dev20260713+nightly
codegen_flags: <defaults>
</compile_context>

<pallas_src>
import jax
import jax.numpy as jnp
from jax import lax
from jax.experimental import pallas as pl
from jax.experimental.pallas import tpu as pltpu
from jax.experimental.pallas import tpu_sc as plsc

POOL = 1024
LEN = 16
K = 8
B, T, H = 4, 8192, 1024

TBLK = 512
NT = T // TBLK
OUT_T = K * LEN + T

NC = 2
NS = 16
NW = NC * NS
ROWS_PER_W = POOL // NW
LANES = 16


def _copy_mean_body(x_ref, sum_ref, big_ref, sem):
    t = pl.program_id(0)

    cp = pltpu.make_async_copy(
        x_ref, big_ref.at[:, pl.ds(K * LEN + t * TBLK, TBLK), :], sem
    )
    cp.start()

    @pl.when(t == 0)
    def _():
        sum_ref[...] = jnp.zeros_like(sum_ref)

    sum_ref[...] += jnp.sum(x_ref[...], axis=1)

    cp.wait()


GROUPS = 8
GROW = ROWS_PER_W // GROUPS


def _pmean_sc_body(prompt_hbm, out_hbm, buf_v, outb_v, sem):
    c = lax.axis_index("c")
    s = lax.axis_index("s")
    wid = s * NC + c
    base = wid * ROWS_PER_W

    def group(g, carry):
        pltpu.async_copy(
            prompt_hbm.at[pl.ds((base + g * GROW) * LEN, GROW * LEN)], buf_v, sem
        ).wait()
        for b in range(GROW):

            @plsc.parallel_loop(0, H // LANES, unroll=2)
            def _chunk(col):
                off = col * LANES
                acc = buf_v[b * LEN, pl.ds(off, LANES)]
                for l in range(1, LEN):
                    acc = acc + buf_v[b * LEN + l, pl.ds(off, LANES)]
                outb_v[g * GROW + b, pl.ds(off, LANES)] = acc * (1.0 / LEN)

        return carry

    lax.fori_loop(0, GROUPS, group, 0)
    pltpu.async_copy(outb_v, out_hbm.at[pl.ds(base, ROWS_PER_W)], sem).wait()


def _sim_topk_body(xs_ref, pm_ref, sim_ref, idx_ref, rs_ref, rows_ref):
    xm = xs_ref[...] * (1.0 / T)
    xss = jnp.sum(xm * xm, axis=1, keepdims=True)
    xn = xm * lax.rsqrt(jnp.maximum(xss, 1e-12))
    pm = pm_ref[...]
    pss = jnp.sum(pm * pm, axis=1, keepdims=True)
    pn = pm * lax.rsqrt(jnp.maximum(pss, 1e-12))
    sim = lax.dot_general(
        xn, pn, (((1,), (1,)), ((), ())), preferred_element_type=jnp.float32
    )
    sim_ref[...] = sim

    iota = lax.broadcasted_iota(jnp.int32, (B, POOL), 1)
    cur = sim
    total = jnp.float32(0.0)
    cols = []
    for _ in range(K):
        m = jnp.max(cur, axis=1, keepdims=True)
        cand = jnp.where(cur == m, iota, POOL)
        i = jnp.min(cand, axis=1, keepdims=True)
        cols.append(i)
        total += jnp.sum(m)
        cur = jnp.where(iota == i, -jnp.inf, cur)
    idx_ref[...] = jnp.concatenate(cols, axis=1)
    rs_ref[0, 0] = total * (1.0 / B)

    jvec = lax.broadcasted_iota(jnp.int32, (B, LANES), 1)
    row_blocks = [cols[k] * LEN + jvec for k in range(K)]
    rows_ref[...] = jnp.concatenate(row_blocks, axis=1)


def _gather_sc_body(rows_hbm, prompt_hbm, out_hbm, idx_v, rows_v, sem):
    c = lax.axis_index("c")
    s = lax.axis_index("s")
    wid = s * NC + c
    pltpu.async_copy(rows_hbm.at[pl.ds(wid * LEN, LEN)], idx_v, sem).wait()
    pltpu.async_copy(prompt_hbm.at[idx_v], rows_v, sem).wait()
    pltpu.async_copy(rows_v, out_hbm.at[pl.ds(wid * LEN, LEN)], sem).wait()


def _stitch_body(small_ref, big_ref, out_ref):
    del big_ref
    out_ref[...] = small_ref[...]


def kernel(x_embed, prompt):
    pm = pl.kernel(
        _pmean_sc_body,
        out_type=jax.ShapeDtypeStruct((POOL, H), jnp.float32),
        mesh=plsc.VectorSubcoreMesh(core_axis_name="c", subcore_axis_name="s"),
        scratch_types=[
            pltpu.VMEM((GROW * LEN, H), jnp.float32),
            pltpu.VMEM((ROWS_PER_W, H), jnp.float32),
            pltpu.SemaphoreType.DMA,
        ],
    )(prompt.reshape(POOL * LEN, H))

    x_sum, big0 = pl.pallas_call(
        _copy_mean_body,
        grid=(NT,),
        in_specs=[pl.BlockSpec((B, TBLK, H), lambda t: (0, t, 0))],
        out_specs=[
            pl.BlockSpec((B, H), lambda t: (0, 0)),
            pl.BlockSpec(memory_space=pl.ANY),
        ],
        out_shape=[
            jax.ShapeDtypeStruct((B, H), jnp.float32),
            jax.ShapeDtypeStruct((B, OUT_T, H), jnp.float32),
        ],
        scratch_shapes=[pltpu.SemaphoreType.DMA],
    )(x_embed)

    sim, idx, rs, rows = pl.pallas_call(
        _sim_topk_body,
        out_specs=[
            pl.BlockSpec(memory_space=pltpu.VMEM),
            pl.BlockSpec(memory_space=pltpu.VMEM),
            pl.BlockSpec(memory_space=pltpu.SMEM),
            pl.BlockSpec(memory_space=pltpu.VMEM),
        ],
        out_shape=[
            jax.ShapeDtypeStruct((B, POOL), jnp.float32),
            jax.ShapeDtypeStruct((B, K), jnp.int32),
            jax.ShapeDtypeStruct((1, 1), jnp.float32),
            jax.ShapeDtypeStruct((B, K * LANES), jnp.int32),
        ],
    )(x_sum, pm)

    small = pl.kernel(
        _gather_sc_body,
        out_type=jax.ShapeDtypeStruct((B * K * LEN, H), jnp.float32),
        mesh=plsc.VectorSubcoreMesh(core_axis_name="c", subcore_axis_name="s"),
        scratch_types=[
            pltpu.VMEM((LANES,), jnp.int32),
            pltpu.VMEM((LEN, H), jnp.float32),
            pltpu.SemaphoreType.DMA,
        ],
    )(rows.reshape(B * K * LEN), prompt.reshape(POOL * LEN, H))

    big = pl.pallas_call(
        _stitch_body,
        grid=(B,),
        in_specs=[
            pl.BlockSpec((1, K * LEN, H), lambda b: (b, 0, 0)),
            pl.BlockSpec((1, LEN, H), lambda b: (b, 0, 0)),
        ],
        out_specs=pl.BlockSpec((1, K * LEN, H), lambda b: (b, 0, 0)),
        out_shape=jax.ShapeDtypeStruct((B, OUT_T, H), jnp.float32),
        input_output_aliases={1: 0},
    )(small.reshape(B, K * LEN, H), big0)

    return big, rs[0, 0], sim, idx

# --- scband reference (transcript-rebuilt; emitter-appended) ---
"""Pipeline reference for scband-prompt-91250875170956 (READ-ONLY COPY).

The authoritative reference and input builder live on the scoring server;
editing this copy changes nothing except your own understanding.
"""

import jax, jax.numpy as jnp
import numpy as np

POOL_SIZE = 1024
LENGTH = 16
TOP_K = 8
B, T, H = 4, 8192, 1024


def l2_normalize(x, axis=None, epsilon=1e-12):
    square_sum = jnp.sum(jnp.square(x), axis=axis, keepdims=True)
    x_inv_norm = jax.lax.rsqrt(jnp.maximum(square_sum, epsilon))
    return x * x_inv_norm


def setup_inputs(seed: int = 0) -> dict:
    key = jax.random.key(seed)
    k1, k2 = jax.random.split(key)
    x_embed = jax.random.normal(k1, (B, T, H), dtype=jnp.float32)
    # 'prompt' parameter initialized like nn.initializers.uniform() -> U[0, 0.01)
    prompt = jax.random.uniform(k2, (POOL_SIZE, LENGTH, H), dtype=jnp.float32, minval=0.0, maxval=0.01)
    return {"x_embed": x_embed, "prompt": prompt}


def reference(x_embed, prompt):
    # embedding_key == 'mean'
    x_embed_mean = jnp.mean(x_embed, axis=1)
    # prompt_key == False -> use mean of prompt as key
    prompt_mean = jnp.mean(prompt, axis=1)
    prompt_key = prompt_mean
    prompt_norm = l2_normalize(prompt_key, axis=1)
    x_embed_norm = l2_normalize(x_embed_mean, axis=1)
    sim = jnp.matmul(x_embed_norm, jnp.transpose(prompt_norm))  # [B, pool_size]
    _, idx = jax.lax.top_k(sim, TOP_K)  # [B, top_k]
    batched_prompt_raw = jnp.take(prompt, idx, axis=0)  # [B, top_k, length, H]
    bs, allowed_size, prompt_len, embed_dim = batched_prompt_raw.shape
    batched_prompt = jnp.reshape(batched_prompt_raw, (bs, allowed_size * prompt_len, embed_dim))
    batched_key_norm = jnp.take(prompt_norm, idx, axis=0)  # [B, top_k, H]
    x_embed_norm_e = x_embed_norm[:, jnp.newaxis, :]
    sim_sel = batched_key_norm * x_embed_norm_e
    reduce_sim = jnp.sum(sim_sel) / x_embed.shape[0]
    prompted_embedding = jnp.concatenate([batched_prompt, x_embed], axis=1)  # [B, top_k*length + T, H]
    return (prompted_embedding, reduce_sim, sim, idx)

if __name__ == "__main__":
    import jax
    _d = setup_inputs()
    print(jax.jit(kernel)(*tuple(_d.values())))

</pallas_src>

<mosaic_0001>
#map = affine_map<(d0, d1) -> (0, 0)>
module attributes {stable_mosaic.version = 14 : i64} {
  func.func @_pmean_sc_body(%arg0: i32, %arg1: i32, %arg2: memref<16384x1024xf32, #tpu.memory_space<hbm>>, %arg3: memref<1024x1024xf32, #tpu.memory_space<hbm>>, %arg4: memref<64x1024xf32, #tpu.memory_space<vmem>>, %arg5: memref<32x1024xf32, #tpu.memory_space<vmem>>, %arg6: memref<!tpu.dma_semaphore, #tpu.memory_space<semaphore_mem>>) attributes {dimension_semantics = [#tpu.dimension_semantics<core_parallel>, #tpu.dimension_semantics<subcore_parallel>], iteration_bounds = array<i64: 2, 16>, scalar_prefetch = 0 : i64, scratch_operands = 3 : i64, tpu.core_type = #tpu.core_type<sc_vector_subcore>, window_params = [{transform_indices = #map}, {transform_indices = #map}]} {
    %mul3A = arith.constant 2 : i32
    %mul3A_0 = arith.muli %arg1, %mul3A : i32
    %add3A = arith.addi %mul3A_0, %arg0 : i32
    %mul3A_1 = arith.constant 32 : i32
    %mul3A_2 = arith.muli %add3A, %mul3A_1 : i32
    %scan3A = arith.constant 0 : i32
    %scan3A_3 = arith.constant 0 : i32
    %scan3A_4 = arith.constant 8 : i32
    %scan3A_5 = arith.addi %scan3A_3, %scan3A_4 : i32
    %scan3A_6 = arith.constant 1 : i32
    scf.for %scan3A_14 = %scan3A_3 to %scan3A_5 step %scan3A_6  : i32 {
      %mul3A_15 = arith.constant 4 : i32
      %mul3A_16 = arith.muli %scan3A_14, %mul3A_15 : i32
      %add3A_17 = arith.addi %mul3A_2, %mul3A_16 : i32
      %mul3A_18 = arith.constant 16 : i32
      %mul3A_19 = arith.muli %add3A_17, %mul3A_18 : i32
      %dma_start3A_20 = arith.constant 0 : i32
      %dma_start3A_21 = tpu.memref_slice %arg2[%mul3A_19, %dma_start3A_20] : memref<16384x1024xf32, #tpu.memory_space<hbm>> -> memref<64x1024xf32, #tpu.memory_space<hbm>>
      %dma_start3A_22 = arith.constant 0 : i32
      %dma_start3A_23 = tpu.memref_slice %arg2[%mul3A_19, %dma_start3A_22] : memref<16384x1024xf32, #tpu.memory_space<hbm>> -> memref<64x1024xf32, #tpu.memory_space<hbm>>
      tpu.enqueue_dma source(%dma_start3A_23 : memref<64x1024xf32, #tpu.memory_space<hbm>>) target(%arg4 : memref<64x1024xf32, #tpu.memory_space<vmem>>) target_semaphore(%arg6 : memref<!tpu.dma_semaphore, #tpu.memory_space<semaphore_mem>>)
      %dma_wait3A_24 = arith.constant 0 : i32
      %dma_wait3A_25 = tpu.memref_slice %arg2[%mul3A_19, %dma_wait3A_24] : memref<16384x1024xf32, #tpu.memory_space<hbm>> -> memref<64x1024xf32, #tpu.memory_space<hbm>>
      %dma_wait3A_26 = arith.constant 0 : i32
      %dma_wait3A_27 = tpu.memref_slice %arg2[%mul3A_19, %dma_wait3A_26] : memref<16384x1024xf32, #tpu.memory_space<hbm>> -> memref<64x1024xf32, #tpu.memory_space<hbm>>
      tpu.wait_dma2 semaphore(%arg6 : memref<!tpu.dma_semaphore, #tpu.memory_space<semaphore_mem>>) src(%dma_wait3A_27 : memref<64x1024xf32, #tpu.memory_space<hbm>>) dst(%arg4 : memref<64x1024xf32, #tpu.memory_space<vmem>>)
      %parallel_loop3A = arith.constant 0 : i32
      %parallel_loop3A_28 = arith.constant 64 : i32
      %parallel_loop3A_29 = arith.constant 1 : i32
      scf.for %parallel_loop3A_39 = %parallel_loop3A to %parallel_loop3A_28 step %parallel_loop3A_29  : i32 {
        %parallel_loop3A_40 = arith.constant 16 : i32
        %parallel_loop3A_41 = arith.muli %parallel_loop3A_39, %parallel_loop3A_40 : i32
        %parallel_loop3A_42 = arith.constant 0 : i32
        %parallel_loop3A_43 = arith.index_cast %parallel_loop3A_42 : i32 to index
        %parallel_loop3A_44 = arith.index_cast %parallel_loop3A_41 : i32 to index
        %parallel_loop3A_45 = tpu.vector_load %arg4[%parallel_loop3A_43, %parallel_loop3A_44] {strides = array<i32>} : memref<64x1024xf32, #tpu.memory_space<vmem>>, vector<1x16xf32>,
        %parallel_loop3A_46 = vector.shape_cast %parallel_loop3A_45 : vector<1x16xf32> to vector<16xf32>
        %parallel_loop3A_47 = arith.constant 1 : i32
        %parallel_loop3A_48 = arith.index_cast %parallel_loop3A_47 : i32 to index
        %parallel_loop3A_49 = arith.index_cast %parallel_loop3A_41 : i32 to index
        %parallel_loop3A_50 = tpu.vector_load %arg4[%parallel_loop3A_48, %parallel_loop3A_49] {strides = array<i32>} : memref<64x1024xf32, #tpu.memory_space<vmem>>, vector<1x16xf32>,
        %parallel_loop3A_51 = vector.shape_cast %parallel_loop3A_50 : vector<1x16xf32> to vector<16xf32>
        %parallel_loop3A_52 = arith.addf %parallel_loop3A_46, %parallel_loop3A_51 : vector<16xf32>
        %parallel_loop3A_53 = arith.constant 2 : i32
        %parallel_loop3A_54 = arith.index_cast %parallel_loop3A_53 : i32 to index
        %parallel_loop3A_55 = arith.index_cast %parallel_loop3A_41 : i32 to index
        %parallel_loop3A_56 = tpu.vector_load %arg4[%parallel_loop3A_54, %parallel_loop3A_55] {strides = array<i32>} : memref<64x1024xf32, #tpu.memory_space<vmem>>, vector<1x16xf32>,
        %parallel_loop3A_57 = vector.shape_cast %parallel_loop3A_56 : vector<1x16xf32> to vector<16xf32>
        %parallel_loop3A_58 = arith.addf %parallel_loop3A_52, %parallel_loop3A_57 : vector<16xf32>
        %parallel_loop3A_59 = arith.constant 3 : i32
        %parallel_loop3A_60 = arith.index_cast %parallel_loop3A_59 : i32 to index
        %parallel_loop3A_61 = arith.index_cast %parallel_loop3A_41 : i32 to index
        %parallel_loop3A_62 = tpu.vector_load %arg4[%parallel_loop3A_60, %parallel_loop3A_61] {strides = array<i32>} : memref<64x1024xf32, #tpu.memory_space<vmem>>, vector<1x16xf32>,
        %parallel_loop3A_63 = vector.shape_cast %parallel_loop3A_62 : vector<1x16xf32> to vector<16xf32>
        %parallel_loop3A_64 = arith.addf %parallel_loop3A_58, %parallel_loop3A_63 : vector<16xf32>
        %parallel_loop3A_65 = arith.constant 4 : i32
        %parallel_loop3A_66 = arith.index_cast %parallel_loop3A_65 : i32 to index
        %parallel_loop3A_67 = arith.index_cast %parallel_loop3A_41 : i32 to index
        %parallel_loop3A_68 = tpu.vector_load %arg4[%parallel_loop3A_66, %parallel_loop3A_67] {strides = array<i32>} : memref<64x1024xf32, #tpu.memory_space<vmem>>, vector<1x16xf32>,
        %parallel_loop3A_69 = vector.shape_cast %parallel_loop3A_68 : vector<1x16xf32> to vector<16xf32>
        %parallel_loop3A_70 = arith.addf %parallel_loop3A_64, %parallel_loop3A_69 : vector<16xf32>
        %parallel_loop3A_71 = arith.constant 5 : i32
        %parallel_loop3A_72 = arith.index_cast %parallel_loop3A_71 : i32 to index
        %parallel_loop3A_73 = arith.index_cast %parallel_loop3A_41 : i32 to index
        %parallel_loop3A_74 = tpu.vector_load %arg4[%parallel_loop3A_72, %parallel_loop3A_73] {strides = array<i32>} : memref<64x1024xf32, #tpu.memory_space<vmem>>, vector<1x16xf32>,
        %parallel_loop3A_75 = vector.shape_cast %parallel_loop3A_74 : vector<1x16xf32> to vector<16xf32>
        %parallel_loop3A_76 = arith.addf %parallel_loop3A_70, %parallel_loop3A_75 : vector<16xf32>
        %parallel_loop3A_77 = arith.constant 6 : i32
        %parallel_loop3A_78 = arith.index_cast %parallel_loop3A_77 : i32 to index
        %parallel_loop3A_79 = arith.index_cast %parallel_loop3A_41 : i32 to index
        %parallel_loop3A_80 = tpu.vector_load %arg4[%parallel_loop3A_78, %parallel_loop3A_79] {strides = array<i32>} : memref<64x1024xf32, #tpu.memory_space<vmem>>, vector<1x16xf32>,
        %parallel_loop3A_81 = vector.shape_cast %parallel_loop3A_80 : vector<1x16xf32> to vector<16xf32>
        %parallel_loop3A_82 = arith.addf %parallel_loop3A_76, %parallel_loop3A_81 : vector<16xf32>
        %parallel_loop3A_83 = arith.constant 7 : i32
        %parallel_loop3A_84 = arith.index_cast %parallel_loop3A_83 : i32 to index
        %parallel_loop3A_85 = arith.index_cast %parallel_loop3A_41 : i32 to index
        %parallel_loop3A_86 = tpu.vector_load %arg4[%parallel_loop3A_84, %parallel_loop3A_85] {strides = array<i32>} : memref<64x1024xf32, #tpu.memory_space<vmem>>, vector<1x16xf32>,
        %parallel_loop3A_87 = vector.shape_cast %parallel_loop3A_86 : vector<1x16xf32> to vector<16xf32>
        %parallel_loop3A_88 = arith.addf %parallel_loop3A_82, %parallel_loop3A_87 : vector<16xf32>
        %parallel_loop3A_89 = arith.constant 8 : i32
        %parallel_loop3A_90 = arith.index_cast %parallel_loop3A_89 : i32 to index
        %parallel_loop3A_91 = arith.index_cast %parallel_loop3A_41 : i32 to index
        %parallel_loop3A_92 = tpu.vector_load %arg4[%parallel_loop3A_90, %parallel_loop3A_91] {strides = array<i32>} : memref<64x1024xf32, #tpu.memory_space<vmem>>, vector<1x16xf32>,
        %parallel_loop3A_93 = vector.shape_cast %parallel_loop3A_92 : vector<1x16xf32> to vector<16xf32>
        %parallel_loop3A_94 = arith.addf %parallel_loop3A_88, %parallel_loop3A_93 : vector<16xf32>
        %parallel_loop3A_95 = arith.constant 9 : i32
        %parallel_loop3A_96 = arith.index_cast %parallel_loop3A_95 : i32 to index
        %parallel_loop3A_97 = arith.index_cast %parallel_loop3A_41 : i32 to index
        %parallel_loop3A_98 = tpu.vector_load %arg4[%parallel_loop3A_96, %parallel_loop3A_97] {strides = array<i32>} : memref<64x1024xf32, #tpu.memory_space<vmem>>, vector<1x16xf32>,
        %parallel_loop3A_99 = vector.shape_cast %parallel_loop3A_98 : vector<1x16xf32> to vector<16xf32>
        %parallel_loop3A_100 = arith.addf %parallel_loop3A_94, %parallel_loop3A_99 : vector<16xf32>
        %parallel_loop3A_101 = arith.constant 10 : i32
        %parallel_loop3A_102 = arith.index_cast %parallel_loop3A_101 : i32 to index
        %parallel_loop3A_103 = arith.index_cast %parallel_loop3A_41 : i32 to index
        %parallel_loop3A_104 = tpu.vector_load %arg4[%parallel_loop3A_102, %parallel_loop3A_103] {strides = array<i32>} : memref<64x1024xf32, #tpu.memory_space<vmem>>, vector<1x16xf32>,
        %parallel_loop3A_105 = vector.shape_cast %parallel_loop3A_104 : vector<1x16xf32> to vector<16xf32>
        %parallel_loop3A_106 = arith.addf %parallel_loop3A_100, %parallel_loop3A_105 : vector<16xf32>
        %parallel_loop3A_107 = arith.constant 11 : i32
        %parallel_loop3A_108 = arith.index_cast %parallel_loop3A_107 : i32 to index
        %parallel_loop3A_109 = arith.index_cast %parallel_loop3A_41 : i32 to index
        %parallel_loop3A_110 = tpu.vector_load %arg4[%parallel_loop3A_108, %parallel_loop3A_109] {strides = array<i32>} : memref<64x1024xf32, #tpu.memory_space<vmem>>, vector<1x16xf32>,
        %parallel_loop3A_111 = vector.shape_cast %parallel_loop3A_110 : vector<1x16xf32> to vector<16xf32>
        %parallel_loop3A_112 = arith.addf %parallel_loop3A_106, %parallel_loop3A_111 : vector<16xf32>
        %parallel_loop3A_113 = arith.constant 12 : i32
        %parallel_loop3A_114 = arith.index_cast %parallel_loop3A_113 : i32 to index
        %parallel_loop3A_115 = arith.index_cast %parallel_loop3A_41 : i32 to index
        %parallel_loop3A_116 = tpu.vector_load %arg4[%parallel_loop3A_114, %parallel_loop3A_115] {strides = array<i32>} : memref<64x1024xf32, #tpu.memory_space<vmem>>, vector<1x16xf32>,
        %parallel_loop3A_117 = vector.shape_cast %parallel_loop3A_116 : vector<1x16xf32> to vector<16xf32>
        %parallel_loop3A_118 = arith.addf %parallel_loop3A_112, %parallel_loop3A_117 : vector<16xf32>
        %parallel_loop3A_119 = arith.constant 13 : i32
        %parallel_loop3A_120 = arith.index_cast %parallel_loop3A_119 : i32 to index
        %parallel_loop3A_121 = arith.index_cast %parallel_loop3A_41 : i32 to index
        %parallel_loop3A_122 = tpu.vector_load %arg4[%parallel_loop3A_120, %parallel_loop3A_121] {strides = array<i32>} : memref<64x1024xf32, #tpu.memory_space<vmem>>, vector<1x16xf32>,
        %parallel_loop3A_123 = vector.shape_cast %parallel_loop3A_122 : vector<1x16xf32> to vector<16xf32>
        %parallel_loop3A_124 = arith.addf %parallel_loop3A_118, %parallel_loop3A_123 : vector<16xf32>
        %parallel_loop3A_125 = arith.constant 14 : i32
        %parallel_loop3A_126 = arith.index_cast %parallel_loop3A_125 : i32 to index
        %parallel_loop3A_127 = arith.index_cast %parallel_loop3A_41 : i32 to index
        %parallel_loop3A_128 = tpu.vector_load %arg4[%parallel_loop3A_126, %parallel_loop3A_127] {strides = array<i32>} : memref<64x1024xf32, #tpu.memory_space<vmem>>, vector<1x16xf32>,
        %parallel_loop3A_129 = vector.shape_cast %parallel_loop3A_128 : vector<1x16xf32> to vector<16xf32>
        %parallel_loop3A_130 = arith.addf %parallel_loop3A_124, %parallel_loop3A_129 : vector<16xf32>
        %parallel_loop3A_131 = arith.constant 15 : i32
        %parallel_loop3A_132 = arith.index_cast %parallel_loop3A_131 : i32 to index
        %parallel_loop3A_133 = arith.index_cast %parallel_loop3A_41 : i32 to index
        %parallel_loop3A_134 = tpu.vector_load %arg4[%parallel_loop3A_132, %parallel_loop3A_133] {strides = array<i32>} : memref<64x1024xf32, #tpu.memory_space<vmem>>, vector<1x16xf32>,
        %parallel_loop3A_135 = vector.shape_cast %parallel_loop3A_134 : vector<1x16xf32> to vector<16xf32>
        %parallel_loop3A_136 = arith.addf %parallel_loop3A_130, %parallel_loop3A_135 : vector<16xf32>
        %parallel_loop3A_137 = arith.constant 6.250000e-02 : f32
        %parallel_loop3A_138 = vector.broadcast %parallel_loop3A_137 : f32 to vector<16xf32>
        %parallel_loop3A_139 = arith.mulf %parallel_loop3A_136, %parallel_loop3A_138 : vector<16xf32>
        %parallel_loop3A_140 = arith.constant 4 : i32
        %parallel_loop3A_141 = arith.muli %scan3A_14, %parallel_loop3A_140 : i32
        %parallel_loop3A_142 = arith.constant 0 : i32
        %parallel_loop3A_143 = arith.addi %parallel_loop3A_141, %parallel_loop3A_142 : i32
        %parallel_loop3A_144 = arith.index_cast %parallel_loop3A_143 : i32 to index
        %parallel_loop3A_145 = arith.index_cast %parallel_loop3A_41 : i32 to index
        %parallel_loop3A_146 = tpu.vector_load %arg5[%parallel_loop3A_144, %parallel_loop3A_145] {strides = array<i32>} : memref<32x1024xf32, #tpu.memory_space<vmem>>, vector<1x16xf32>,
        %parallel_loop3A_147 = vector.shape_cast %parallel_loop3A_146 : vector<1x16xf32> to vector<16xf32>
        %parallel_loop3A_148 = vector.shape_cast %parallel_loop3A_139 : vector<16xf32> to vector<1x16xf32>
        tpu.vector_store %arg5[%parallel_loop3A_144, %parallel_loop3A_145], %parallel_loop3A_148 {strides = array<i32>} : memref<32x1024xf32, #tpu.memory_space<vmem>>, vector<1x16xf32>,
      } {sc.loop_unroll_factor = 2 : i64, sc.parallel_access}
      %parallel_loop3A_30 = arith.constant 0 : i32
      %parallel_loop3A_31 = arith.constant 64 : i32
      %parallel_loop3A_32 = arith.constant 1 : i32
      scf.for %parallel_loop3A_39 = %parallel_loop3A_30 to %parallel_loop3A_31 step %parallel_loop3A_32  : i32 {
        %parallel_loop3A_40 = arith.constant 16 : i32
        %parallel_loop3A_41 = arith.muli %parallel_loop3A_39, %parallel_loop3A_40 : i32
        %parallel_loop3A_42 = arith.constant 16 : i32
        %parallel_loop3A_43 = arith.index_cast %parallel_loop3A_42 : i32 to index
        %parallel_loop3A_44 = arith.index_cast %parallel_loop3A_41 : i32 to index
        %parallel_loop3A_45 = tpu.vector_load %arg4[%parallel_loop3A_43, %parallel_loop3A_44] {strides = array<i32>} : memref<64x1024xf32, #tpu.memory_space<vmem>>, vector<1x16xf32>,
        %parallel_loop3A_46 = vector.shape_cast %parallel_loop3A_45 : vector<1x16xf32> to vector<16xf32>
        %parallel_loop3A_47 = arith.constant 17 : i32
        %parallel_loop3A_48 = arith.index_cast %parallel_loop3A_47 : i32 to index
        %parallel_loop3A_49 = arith.index_cast %parallel_loop3A_41 : i32 to index
        %parallel_loop3A_50 = tpu.vector_load %arg4[%parallel_loop3A_48, %parallel_loop3A_49] {strides = array<i32>} : memref<64x1024xf32, #tpu.memory_space<vmem>>, vector<1x16xf32>,
        %parallel_loop3A_51 = vector.shape_cast %parallel_loop3A_50 : vector<1x16xf32> to vector<16xf32>
        %parallel_loop3A_52 = arith.addf %parallel_loop3A_46, %parallel_loop3A_51 : vector<16xf32>
        %parallel_loop3A_53 = arith.constant 18 : i32
        %parallel_loop3A_54 = arith.index_cast %parallel_loop3A_53 : i32 to index
        %parallel_loop3A_55 = arith.index_cast %parallel_loop3A_41 : i32 to index
        %parallel_loop3A_56 = tpu.vector_load %arg4[%parallel_loop3A_54, %parallel_loop3A_55] {strides = array<i32>} : memref<64x1024xf32, #tpu.memory_space<vmem>>, vector<1x16xf32>,
        %parallel_loop3A_57 = vector.shape_cast %parallel_loop3A_56 : vector<1x16xf32> to vector<16xf32>
        %parallel_loop3A_58 = arith.addf %parallel_loop3A_52, %parallel_loop3A_57 : vector<16xf32>
        %parallel_loop3A_59 = arith.constant 19 : i32
        %parallel_loop3A_60 = arith.index_cast %parallel_loop3A_59 : i32 to index
        %parallel_loop3A_61 = arith.index_cast %parallel_loop3A_41 : i32 to index
        %parallel_loop3A_62 = tpu.vector_load %arg4[%parallel_loop3A_60, %parallel_loop3A_61] {strides = array<i32>} : memref<64x1024xf32, #tpu.memory_space<vmem>>, vector<1x16xf32>,
        %parallel_loop3A_63 = vector.shape_cast %parallel_loop3A_62 : vector<1x16xf32> to vector<16xf32>
        %parallel_loop3A_64 = arith.addf %parallel_loop3A_58, %parallel_loop3A_63 : vector<16xf32>
        %parallel_loop3A_65 = arith.constant 20 : i32
        %parallel_loop3A_66 = arith.index_cast %parallel_loop3A_65 : i32 to index
        %parallel_loop3A_67 = arith.index_cast %parallel_loop3A_41 : i32 to index
        %parallel_loop3A_68 = tpu.vector_load %arg4[%parallel_loop3A_66, %parallel_loop3A_67] {strides = array<i32>} : memref<64x1024xf32, #tpu.memory_space<vmem>>, vector<1x16xf32>,
        %parallel_loop3A_69 = vector.shape_cast %parallel_loop3A_68 : vector<1x16xf32> to vector<16xf32>
        %parallel_loop3A_70 = arith.addf %parallel_loop3A_64, %parallel_loop3A_69 : vector<16xf32>
        %parallel_loop3A_71 = arith.constant 21 : i32
        %parallel_loop3A_72 = arith.index_cast %parallel_loop3A_71 : i32 to index
        %parallel_loop3A_73 = arith.index_cast %parallel_loop3A_41 : i32 to index
        %parallel_loop3A_74 = tpu.vector_load %arg4[%parallel_loop3A_72, %parallel_loop3A_73] {strides = array<i32>} : memref<64x1024xf32, #tpu.memory_space<vmem>>, vector<1x16xf32>,
        %parallel_loop3A_75 = vector.shape_cast %parallel_loop3A_74 : vector<1x16xf32> to vector<16xf32>
        %parallel_loop3A_76 = arith.addf %parallel_loop3A_70, %parallel_loop3A_75 : vector<16xf32>
        %parallel_loop3A_77 = arith.constant 22 : i32
        %parallel_loop3A_78 = arith.index_cast %parallel_loop3A_77 : i32 to index
        %parallel_loop3A_79 = arith.index_cast %parallel_loop3A_41 : i32 to index
        %parallel_loop3A_80 = tpu.vector_load %arg4[%parallel_loop3A_78, %parallel_loop3A_79] {strides = array<i32>} : memref<64x1024xf32, #tpu.memory_space<vmem>>, vector<1x16xf32>,
        %parallel_loop3A_81 = vector.shape_cast %parallel_loop3A_80 : vector<1x16xf32> to vector<16xf32>
        %parallel_loop3A_82 = arith.addf %parallel_loop3A_76, %parallel_loop3A_81 : vector<16xf32>
        %parallel_loop3A_83 = arith.constant 23 : i32
        %parallel_loop3A_84 = arith.index_cast %parallel_loop3A_83 : i32 to index
        %parallel_loop3A_85 = arith.index_cast %parallel_loop3A_41 : i32 to index
        %parallel_loop3A_86 = tpu.vector_load %arg4[%parallel_loop3A_84, %parallel_loop3A_85] {strides = array<i32>} : memref<64x1024xf32, #tpu.memory_space<vmem>>, vector<1x16xf32>,
        %parallel_loop3A_87 = vector.shape_cast %parallel_loop3A_86 : vector<1x16xf32> to vector<16xf32>
        %parallel_loop3A_88 = arith.addf %parallel_loop3A_82, %parallel_loop3A_87 : vector<16xf32>
        %parallel_loop3A_89 = arith.constant 24 : i32
        %parallel_loop3A_90 = arith.index_cast %parallel_loop3A_89 : i32 to index
        %parallel_loop3A_91 = arith.index_cast %parallel_loop3A_41 : i32 to index
        %parallel_loop3A_92 = tpu.vector_load %arg4[%parallel_loop3A_90, %parallel_loop3A_91] {strides = array<i32>} : memref<64x1024xf32, #tpu.memory_space<vmem>>, vector<1x16xf32>,
        %parallel_loop3A_93 = vector.shape_cast %parallel_loop3A_92 : vector<1x16xf32> to vector<16xf32>
        %parallel_loop3A_94 = arith.addf %parallel_loop3A_88, %parallel_loop3A_93 : vector<16xf32>
        %parallel_loop3A_95 = arith.constant 25 : i32
        %parallel_loop3A_96 = arith.index_cast %parallel_loop3A_95 : i32 to index
        %parallel_loop3A_97 = arith.index_cast %parallel_loop3A_41 : i32 to index
        %parallel_loop3A_98 = tpu.vector_load %arg4[%parallel_loop3A_96, %parallel_loop3A_97] {strides = array<i32>} : memref<64x1024xf32, #tpu.memory_space<vmem>>, vector<1x16xf32>,
        %parallel_loop3A_99 = vector.shape_cast %parallel_loop3A_98 : vector<1x16xf32> to vector<16xf32>
        %parallel_loop3A_100 = arith.addf %parallel_loop3A_94, %parallel_loop3A_99 : vector<16xf32>
        %parallel_loop3A_101 = arith.constant 26 : i32
        %parallel_loop3A_102 = arith.index_cast %parallel_loop3A_101 : i32 to index
        %parallel_loop3A_103 = arith.index_cast %parallel_loop3A_41 : i32 to index
        %parallel_loop3A_104 = tpu.vector_load %arg4[%parallel_loop3A_102, %parallel_loop3A_103] {strides = array<i32>} : memref<64x1024xf32, #tpu.memory_space<vmem>>, vector<1x16xf32>,
        %parallel_loop3A_105 = vector.shape_cast %parallel_loop3A_104 : vector<1x16xf32> to vector<16xf32>
        %parallel_loop3A_106 = arith.addf %parallel_loop3A_100, %parallel_loop3A_105 : vector<16xf32>
        %parallel_loop3A_107 = arith.constant 27 : i32
        %parallel_loop3A_108 = arith.index_cast %parallel_loop3A_107 : i32 to index
        %parallel_loop3A_109 = arith.index_cast %parallel_loop3A_41 : i32 to index
        %parallel_loop3A_110 = tpu.vector_load %arg4[%parallel_loop3A_108, %parallel_loop3A_109] {strides = array<i32>} : memref<64x1024xf32, #tpu.memory_space<vmem>>, vector<1x16xf32>,
        %parallel_loop3A_111 = vector.shape_cast %parallel_loop3A_110 : vector<1x16xf32> to vector<16xf32>
        %parallel_loop3A_112 = arith.addf %parallel_loop3A_106, %parallel_loop3A_111 : vector<16xf32>
        %parallel_loop3A_113 = arith.constant 28 : i32
        %parallel_loop3A_114 = arith.index_cast %parallel_loop3A_113 : i32 to index
        %parallel_loop3A_115 = arith.index_cast %parallel_loop3A_41 : i32 to index
        %parallel_loop3A_116 = tpu.vector_load %arg4[%parallel_loop3A_114, %parallel_loop3A_115] {strides = array<i32>} : memref<64x1024xf32, #tpu.memory_space<vmem>>, vector<1x16xf32>,
        %parallel_loop3A_117 = vector.shape_cast %parallel_loop3A_116 : vector<1x16xf32> to vector<16xf32>
        %parallel_loop3A_118 = arith.addf %parallel_loop3A_112, %parallel_loop3A_117 : vector<16xf32>
        %parallel_loop3A_119 = arith.constant 29 : i32
        %parallel_loop3A_120 = arith.index_cast %parallel_loop3A_119 : i32 to index
        %parallel_loop3A_121 = arith.index_cast %parallel_loop3A_41 : i32 to index
        %parallel_loop3A_122 = tpu.vector_load %arg4[%parallel_loop3A_120, %parallel_loop3A_121] {strides = array<i32>} : memref<64x1024xf32, #tpu.memory_space<vmem>>, vector<1x16xf32>,
        %parallel_loop3A_123 = vector.shape_cast %parallel_loop3A_122 : vector<1x16xf32> to vector<16xf32>
        %parallel_loop3A_124 = arith.addf %parallel_loop3A_118, %parallel_loop3A_123 : vector<16xf32>
        %parallel_loop3A_125 = arith.constant 30 : i32
        %parallel_loop3A_126 = arith.index_cast %parallel_loop3A_125 : i32 to index
        %parallel_loop3A_127 = arith.index_cast %parallel_loop3A_41 : i32 to index
        %parallel_loop3A_128 = tpu.vector_load %arg4[%parallel_loop3A_126, %parallel_loop3A_127] {strides = array<i32>} : memref<64x1024xf32, #tpu.memory_space<vmem>>, vector<1x16xf32>,
        %parallel_loop3A_129 = vector.shape_cast %parallel_loop3A_128 : vector<1x16xf32> to vector<16xf32>
        %parallel_loop3A_130 = arith.addf %parallel_loop3A_124, %parallel_loop3A_129 : vector<16xf32>
        %parallel_loop3A_131 = arith.constant 31 : i32
        %parallel_loop3A_132 = arith.index_cast %parallel_loop3A_131 : i32 to index
        %parallel_loop3A_133 = arith.index_cast %parallel_loop3A_41 : i32 to index
        %parallel_loop3A_134 = tpu.vector_load %arg4[%parallel_loop3A_132, %parallel_loop3A_133] {strides = array<i32>} : memref<64x1024xf32, #tpu.memory_space<vmem>>, vector<1x16xf32>,
        %parallel_loop3A_135 = vector.shape_cast %parallel_loop3A_134 : vector<1x16xf32> to vector<16xf32>
        %parallel_loop3A_136 = arith.addf %parallel_loop3A_130, %parallel_loop3A_135 : vector<16xf32>
        %parallel_loop3A_137 = arith.constant 6.250000e-02 : f32
        %parallel_loop3A_138 = vector.broadcast %parallel_loop3A_137 : f32 to vector<16xf32>
        %parallel_loop3A_139 = arith.mulf %parallel_loop3A_136, %parallel_loop3A_138 : vector<16xf32>
        %parallel_loop3A_140 = arith.constant 4 : i32
        %parallel_loop3A_141 = arith.muli %scan3A_14, %parallel_loop3A_140 : i32
        %parallel_loop3A_142 = arith.constant 1 : i32
        %parallel_loop3A_143 = arith.addi %parallel_loop3A_141, %parallel_loop3A_142 : i32
        %parallel_loop3A_144 = arith.index_cast %parallel_loop3A_143 : i32 to index
        %parallel_loop3A_145 = arith.index_cast %parallel_loop3A_41 : i32 to index
        %parallel_loop3A_146 = tpu.vector_load %arg5[%parallel_loop3A_144, %parallel_loop3A_145] {strides = array<i32>} : memref<32x1024xf32, #tpu.memory_space<vmem>>, vector<1x16xf32>,
        %parallel_loop3A_147 = vector.shape_cast %parallel_loop3A_146 : vector<1x16xf32> to vector<16xf32>
        %parallel_loop3A_148 = vector.shape_cast %parallel_loop3A_139 : vector<16xf32> to vector<1x16xf32>
        tpu.vector_store %arg5[%parallel_loop3A_144, %parallel_loop3A_145], %parallel_loop3A_148 {strides = array<i32>} : memref<32x1024xf32, #tpu.memory_space<vmem>>, vector<1x16xf32>,
      } {sc.loop_unroll_factor = 2 : i64, sc.parallel_access}
      %parallel_loop3A_33 = arith.constant 0 : i32
      %parallel_loop3A_34 = arith.constant 64 : i32
      %parallel_loop3A_35 = arith.constant 1 : i32
      scf.for %parallel_loop3A_39 = %parallel_loop3A_33 to %parallel_loop3A_34 step %parallel_loop3A_35  : i32 {
        %parallel_loop3A_40 = arith.constant 16 : i32
        %parallel_loop3A_41 = arith.muli %parallel_loop3A_39, %parallel_loop3A_40 : i32
        %parallel_loop3A_42 = arith.constant 32 : i32
        %parallel_loop3A_43 = arith.index_cast %parallel_loop3A_42 : i32 to index
        %parallel_loop3A_44 = arith.index_cast %parallel_loop3A_41 : i32 to index
        %parallel_loop3A_45 = tpu.vector_load %arg4[%parallel_loop3A_43, %parallel_loop3A_44] {strides = array<i32>} : memref<64x1024xf32, #tpu.memory_space<vmem>>, vector<1x16xf32>,
        %parallel_loop3A_46 = vector.shape_cast %parallel_loop3A_45 : vector<1x16xf32> to vector<16xf32>
        %parallel_loop3A_47 = arith.constant 33 : i32
        %parallel_loop3A_48 = arith.index_cast %parallel_loop3A_47 : i32 to index
        %parallel_loop3A_49 = arith.index_cast %parallel_loop3A_41 : i32 to index
        %parallel_loop3A_50 = tpu.vector_load %arg4[%parallel_loop3A_48, %parallel_loop3A_49] {strides = array<i32>} : memref<64x1024xf32, #tpu.memory_space<vmem>>, vector<1x16xf32>,
        %parallel_loop3A_51 = vector.shape_cast %parallel_loop3A_50 : vector<1x16xf32> to vector<16xf32>
        %parallel_loop3A_52 = arith.addf %parallel_loop3A_46, %parallel_loop3A_51 : vector<16xf32>
        %parallel_loop3A_53 = arith.constant 34 : i32
        %parallel_loop3A_54 = arith.index_cast %parallel_loop3A_53 : i32 to index
        %parallel_loop3A_55 = arith.index_cast %parallel_loop3A_41 : i32 to index
        %parallel_loop3A_56 = tpu.vector_load %arg4[%parallel_loop3A_54, %parallel_loop3A_55] {strides = array<i32>} : memref<64x1024xf32, #tpu.memory_space<vmem>>, vector<1x16xf32>,
        %parallel_loop3A_57 = vector.shape_cast %parallel_loop3A_56 : vector<1x16xf32> to vector<16xf32>
        %parallel_loop3A_58 = arith.addf %parallel_loop3A_52, %parallel_loop3A_57 : vector<16xf32>
        %parallel_loop3A_59 = arith.constant 35 : i32
        %parallel_loop3A_60 = arith.index_cast %parallel_loop3A_59 : i32 to index
        %parallel_loop3A_61 = arith.index_cast %parallel_loop3A_41 : i32 to index
        %parallel_loop3A_62 = tpu.vector_load %arg4[%parallel_loop3A_60, %parallel_loop3A_61] {strides = array<i32>} : memref<64x1024xf32, #tpu.memory_space<vmem>>, vector<1x16xf32>,
        %parallel_loop3A_63 = vector.shape_cast %parallel_loop3A_62 : vector<1x16xf32> to vector<16xf32>
        %parallel_loop3A_64 = arith.addf %parallel_loop3A_58, %parallel_loop3A_63 : vector<16xf32>
        %parallel_loop3A_65 = arith.constant 36 : i32
        %parallel_loop3A_66 = arith.index_cast %parallel_loop3A_65 : i32 to index
        %parallel_loop3A_67 = arith.index_cast %parallel_loop3A_41 : i32 to index
        %parallel_loop3A_68 = tpu.vector_load %arg4[%parallel_loop3A_66, %parallel_loop3A_67] {strides = array<i32>} : memref<64x1024xf32, #tpu.memory_space<vmem>>, vector<1x16xf32>,
        %parallel_loop3A_69 = vector.shape_cast %parallel_loop3A_68 : vector<1x16xf32> to vector<16xf32>
        %parallel_loop3A_70 = arith.addf %parallel_loop3A_64, %parallel_loop3A_69 : vector<16xf32>
        %parallel_loop3A_71 = arith.constant 37 : i32
        %parallel_loop3A_72 = arith.index_cast %parallel_loop3A_71 : i32 to index
        %parallel_loop3A_73 = arith.index_cast %parallel_loop3A_41 : i32 to index
        %parallel_loop3A_74 = tpu.vector_load %arg4[%parallel_loop3A_72, %parallel_loop3A_73] {strides = array<i32>} : memref<64x1024xf32, #tpu.memory_space<vmem>>, vector<1x16xf32>,
        %parallel_loop3A_75 = vector.shape_cast %parallel_loop3A_74 : vector<1x16xf32> to vector<16xf32>
        %parallel_loop3A_76 = arith.addf %parallel_loop3A_70, %parallel_loop3A_75 : vector<16xf32>
        %parallel_loop3A_77 = arith.constant 38 : i32
        %parallel_loop3A_78 = arith.index_cast %parallel_loop3A_77 : i32 to index
        %parallel_loop3A_79 = arith.index_cast %parallel_loop3A_41 : i32 to index
        %parallel_loop3A_80 = tpu.vector_load %arg4[%parallel_loop3A_78, %parallel_loop3A_79] {strides = array<i32>} : memref<64x1024xf32, #tpu.memory_space<vmem>>, vector<1x16xf32>,
        %parallel_loop3A_81 = vector.shape_cast %parallel_loop3A_80 : vector<1x16xf32> to vector<16xf32>
        %parallel_loop3A_82 = arith.addf %parallel_loop3A_76, %parallel_loop3A_81 : vector<16xf32>
        %parallel_loop3A_83 = arith.constant 39 : i32
        %parallel_loop3A_84 = arith.index_cast %parallel_loop3A_83 : i32 to index
        %parallel_loop3A_85 = arith.index_cast %parallel_loop3A_41 : i32 to index
        %parallel_loop3A_86 = tpu.vector_load %arg4[%parallel_loop3A_84, %parallel_loop3A_85] {strides = array<i32>} : memref<64x1024xf32, #tpu.memory_space<vmem>>, vector<1x16xf32>,
        %parallel_loop3A_87 = vector.shape_cast %parallel_loop3A_86 : vector<1x16xf32> to vector<16xf32>
        %parallel_loop3A_88 = arith.addf %parallel_loop3A_82, %parallel_loop3A_87 : vector<16xf32>
        %parallel_loop3A_89 = arith.constant 40 : i32
        %parallel_loop3A_90 = arith.index_cast %parallel_loop3A_89 : i32 to index
        %parallel_loop3A_91 = arith.index_cast %parallel_loop3A_41 : i32 to index
        %parallel_loop3A_92 = tpu.vector_load %arg4[%parallel_loop3A_90, %parallel_loop3A_91] {strides = array<i32>} : memref<64x1024xf32, #tpu.memory_space<vmem>>, vector<1x16xf32>,
        %parallel_loop3A_93 = vector.shape_cast %parallel_loop3A_92 : vector<1x16xf32> to vector<16xf32>
        %parallel_loop3A_94 = arith.addf %parallel_loop3A_88, %parallel_loop3A_93 : vector<16xf32>
        %parallel_loop3A_95 = arith.constant 41 : i32
        %parallel_loop3A_96 = arith.index_cast %parallel_loop3A_95 : i32 to index
        %parallel_loop3A_97 = arith.index_cast %parallel_loop3A_41 : i32 to index
        %parallel_loop3A_98 = tpu.vector_load %arg4[%parallel_loop3A_96, %parallel_loop3A_97] {strides = array<i32>} : memref<64x1024xf32, #tpu.memory_space<vmem>>, vector<1x16xf32>,
        %parallel_loop3A_99 = vector.shape_cast %parallel_loop3A_98 : vector<1x16xf32> to vector<16xf32>
        %parallel_loop3A_100 = arith.addf %parallel_loop3A_94, %parallel_loop3A_99 : vector<16xf32>
        %parallel_loop3A_101 = arith.constant 42 : i32
        %parallel_loop3A_102 = arith.index_cast %parallel_loop3A_101 : i32 to index
        %parallel_loop3A_103 = arith.index_cast %parallel_loop3A_41 : i32 to index
        %parallel_loop3A_104 = tpu.vector_load %arg4[%parallel_loop3A_102, %parallel_loop3A_103] {strides = array<i32>} : memref<64x1024xf32, #tpu.memory_space<vmem>>, vector<1x16xf32>,
        %parallel_loop3A_105 = vector.shape_cast %parallel_loop3A_104 : vector<1x16xf32> to vector<16xf32>
        %parallel_loop3A_106 = arith.addf %parallel_loop3A_100, %parallel_loop3A_105 : vector<16xf32>
        %parallel_loop3A_107 = arith.constant 43 : i32
        %parallel_loop3A_108 = arith.index_cast %parallel_loop3A_107 : i32 to index
        %parallel_loop3A_109 = arith.index_cast %parallel_loop3A_41 : i32 to index
        %parallel_loop3A_110 = tpu.vector_load %arg4[%parallel_loop3A_108, %parallel_loop3A_109] {strides = array<i32>} : memref<64x1024xf32, #tpu.memory_space<vmem>>, vector<1x16xf32>,
        %parallel_loop3A_111 = vector.shape_cast %parallel_loop3A_110 : vector<1x16xf32> to vector<16xf32>
        %parallel_loop3A_112 = arith.addf %parallel_loop3A_106, %parallel_loop3A_111 : vector<16xf32>
        %parallel_loop3A_113 = arith.constant 44 : i32
        %parallel_loop3A_114 = arith.index_cast %parallel_loop3A_113 : i32 to index
        %parallel_loop3A_115 = arith.index_cast %parallel_loop3A_41 : i32 to index
        %parallel_loop3A_116 = tpu.vector_load %arg4[%parallel_loop3A_114, %parallel_loop3A_115] {strides = array<i32>} : memref<64x1024xf32, #tpu.memory_space<vmem>>, vector<1x16xf32>,
        %parallel_loop3A_117 = vector.shape_cast %parallel_loop3A_116 : vector<1x16xf32> to vector<16xf32>
        %parallel_loop3A_118 = arith.addf %parallel_loop3A_112, %parallel_loop3A_117 : vector<16xf32>
        %parallel_loop3A_119 = arith.constant 45 : i32
        %parallel_loop3A_120 = arith.index_cast %parallel_loop3A_119 : i32 to index
        %parallel_loop3A_121 = arith.index_cast %parallel_loop3A_41 : i32 to index
        %parallel_loop3A_122 = tpu.vector_load %arg4[%parallel_loop3A_120, %parallel_loop3A_121] {strides = array<i32>} : memref<64x1024xf32, #tpu.memory_space<vmem>>, vector<1x16xf32>,
        %parallel_loop3A_123 = vector.shape_cast %parallel_loop3A_122 : vector<1x16xf32> to vector<16xf32>
        %parallel_loop3A_124 = arith.addf %parallel_loop3A_118, %parallel_loop3A_123 : vector<16xf32>
        %parallel_loop3A_125 = arith.constant 46 : i32
        %parallel_loop3A_126 = arith.index_cast %parallel_loop3A_125 : i32 to index
        %parallel_loop3A_127 = arith.index_cast %parallel_loop3A_41 : i32 to index
        %parallel_loop3A_128 = tpu.vector_load %arg4[%parallel_loop3A_126, %parallel_loop3A_127] {strides = array<i32>} : memref<64x1024xf32, #tpu.memory_space<vmem>>, vector<1x16xf32>,
        %parallel_loop3A_129 = vector.shape_cast %parallel_loop3A_128 : vector<1x16xf32> to vector<16xf32>
        %parallel_loop3A_130 = arith.addf %parallel_loop3A_124, %parallel_loop3A_129 : vector<16xf32>
        %parallel_loop3A_131 = arith.constant 47 : i32
        %parallel_loop3A_132 = arith.index_cast %parallel_loop3A_131 : i32 to index
        %parallel_loop3A_133 = arith.index_cast %parallel_loop3A_41 : i32 to index
        %parallel_loop3A_134 = tpu.vector_load %arg4[%parallel_loop3A_132, %parallel_loop3A_133] {strides = array<i32>} : memref<64x1024xf32, #tpu.memory_space<vmem>>, vector<1x16xf32>,
        %parallel_loop3A_135 = vector.shape_cast %parallel_loop3A_134 : vector<1x16xf32> to vector<16xf32>
        %parallel_loop3A_136 = arith.addf %parallel_loop3A_130, %parallel_loop3A_135 : vector<16xf32>
        %parallel_loop3A_137 = arith.constant 6.250000e-02 : f32
        %parallel_loop3A_138 = vector.broadcast %parallel_loop3A_137 : f32 to vector<16xf32>
        %parallel_loop3A_139 = arith.mulf %parallel_loop3A_136, %parallel_loop3A_138 : vector<16xf32>
        %parallel_loop3A_140 = arith.constant 4 : i32
        %parallel_loop3A_141 = arith.muli %scan3A_14, %parallel_loop3A_140 : i32
        %parallel_loop3A_142 = arith.constant 2 : i32
        %parallel_loop3A_143 = arith.addi %parallel_loop3A_141, %parallel_loop3A_142 : i32
        %parallel_loop3A_144 = arith.index_cast %parallel_loop3A_143 : i32 to index
        %parallel_loop3A_145 = arith.index_cast %parallel_loop3A_41 : i32 to index
        %parallel_loop3A_146 = tpu.vector_load %arg5[%parallel_loop3A_144, %parallel_loop3A_145] {strides = array<i32>} : memref<32x1024xf32, #tpu.memory_space<vmem>>, vector<1x16xf32>,
        %parallel_loop3A_147 = vector.shape_cast %parallel_loop3A_146 : vector<1x16xf32> to vector<16xf32>
        %parallel_loop3A_148 = vector.shape_cast %parallel_loop3A_139 : vector<16xf32> to vector<1x16xf32>
        tpu.vector_store %arg5[%parallel_loop3A_144, %parallel_loop3A_145], %parallel_loop3A_148 {strides = array<i32>} : memref<32x1024xf32, #tpu.memory_space<vmem>>, vector<1x16xf32>,
      } {sc.loop_unroll_factor = 2 : i64, sc.parallel_access}
      %parallel_loop3A_36 = arith.constant 0 : i32
      %parallel_loop3A_37 = arith.constant 64 : i32
      %parallel_loop3A_38 = arith.constant 1 : i32
      scf.for %parallel_loop3A_39 = %parallel_loop3A_36 to %parallel_loop3A_37 step %parallel_loop3A_38  : i32 {
        %parallel_loop3A_40 = arith.constant 16 : i32
        %parallel_loop3A_41 = arith.muli %parallel_loop3A_39, %parallel_loop3A_40 : i32
        %parallel_loop3A_42 = arith.constant 48 : i32
        %parallel_loop3A_43 = arith.index_cast %parallel_loop3A_42 : i32 to index
        %parallel_loop3A_44 = arith.index_cast %parallel_loop3A_41 : i32 to index
        %parallel_loop3A_45 = tpu.vector_load %arg4[%parallel_loop3A_43, %parallel_loop3A_44] {strides = array<i32>} : memref<64x1024xf32, #tpu.memory_space<vmem>>, vector<1x16xf32>,
        %parallel_loop3A_46 = vector.shape_cast %parallel_loop3A_45 : vector<1x16xf32> to vector<16xf32>
        %parallel_loop3A_47 = arith.constant 49 : i32
        %parallel_loop3A_48 = arith.index_cast %parallel_loop3A_47 : i32 to index
        %parallel_loop3A_49 = arith.index_cast %parallel_loop3A_41 : i32 to index
        %parallel_loop3A_50 = tpu.vector_load %arg4[%parallel_loop3A_48, %parallel_loop3A_49] {strides = array<i32>} : memref<64x1024xf32, #tpu.memory_space<vmem>>, vector<1x16xf32>,
        %parallel_loop3A_51 = vector.shape_cast %parallel_loop3A_50 : vector<1x16xf32> to vector<16xf32>
        %parallel_loop3A_52 = arith.addf %parallel_loop3A_46, %parallel_loop3A_51 : vector<16xf32>
        %parallel_loop3A_53 = arith.constant 50 : i32
        %parallel_loop3A_54 = arith.index_cast %parallel_loop3A_53 : i32 to index
        %parallel_loop3A_55 = arith.index_cast %parallel_loop3A_41 : i32 to index
        %parallel_loop3A_56 = tpu.vector_load %arg4[%parallel_loop3A_54, %parallel_loop3A_55] {strides = array<i32>} : memref<64x1024xf32, #tpu.memory_space<vmem>>, vector<1x16xf32>,
        %parallel_loop3A_57 = vector.shape_cast %parallel_loop3A_56 : vector<1x16xf32> to vector<16xf32>
        %parallel_loop3A_58 = arith.addf %parallel_loop3A_52, %parallel_loop3A_57 : vector<16xf32>
        %parallel_loop3A_59 = arith.constant 51 : i32
        %parallel_loop3A_60 = arith.index_cast %parallel_loop3A_59 : i32 to index
        %parallel_loop3A_61 = arith.index_cast %parallel_loop3A_41 : i32 to index
        %parallel_loop3A_62 = tpu.vector_load %arg4[%parallel_loop3A_60, %parallel_loop3A_61] {strides = array<i32>} : memref<64x1024xf32, #tpu.memory_space<vmem>>, vector<1x16xf32>,
        %parallel_loop3A_63 = vector.shape_cast %parallel_loop3A_62 : vector<1x16xf32> to vector<16xf32>
        %parallel_loop3A_64 = arith.addf %parallel_loop3A_58, %parallel_loop3A_63 : vector<16xf32>
        %parallel_loop3A_65 = arith.constant 52 : i32
        %parallel_loop3A_66 = arith.index_cast %parallel_loop3A_65 : i32 to index
        %parallel_loop3A_67 = arith.index_cast %parallel_loop3A_41 : i32 to index
        %parallel_loop3A_68 = tpu.vector_load %arg4[%parallel_loop3A_66, %parallel_loop3A_67] {strides = array<i32>} : memref<64x1024xf32, #tpu.memory_space<vmem>>, vector<1x16xf32>,
        %parallel_loop3A_69 = vector.shape_cast %parallel_loop3A_68 : vector<1x16xf32> to vector<16xf32>
        %parallel_loop3A_70 = arith.addf %parallel_loop3A_64, %parallel_loop3A_69 : vector<16xf32>
        %parallel_loop3A_71 = arith.constant 53 : i32
        %parallel_loop3A_72 = arith.index_cast %parallel_loop3A_71 : i32 to index
        %parallel_loop3A_73 = arith.index_cast %parallel_loop3A_41 : i32 to index
        %parallel_loop3A_74 = tpu.vector_load %arg4[%parallel_loop3A_72, %parallel_loop3A_73] {strides = array<i32>} : memref<64x1024xf32, #tpu.memory_space<vmem>>, vector<1x16xf32>,
        %parallel_loop3A_75 = vector.shape_cast %parallel_loop3A_74 : vector<1x16xf32> to vector<16xf32>
        %parallel_loop3A_76 = arith.addf %parallel_loop3A_70, %parallel_loop3A_75 : vector<16xf32>
        %parallel_loop3A_77 = arith.constant 54 : i32
        %parallel_loop3A_78 = arith.index_cast %parallel_loop3A_77 : i32 to index
        %parallel_loop3A_79 = arith.index_cast %parallel_loop3A_41 : i32 to index
        %parallel_loop3A_80 = tpu.vector_load %arg4[%parallel_loop3A_78, %parallel_loop3A_79] {strides = array<i32>} : memref<64x1024xf32, #tpu.memory_space<vmem>>, vector<1x16xf32>,
        %parallel_loop3A_81 = vector.shape_cast %parallel_loop3A_80 : vector<1x16xf32> to vector<16xf32>
        %parallel_loop3A_82 = arith.addf %parallel_loop3A_76, %parallel_loop3A_81 : vector<16xf32>
        %parallel_loop3A_83 = arith.constant 55 : i32
        %parallel_loop3A_84 = arith.index_cast %parallel_loop3A_83 : i32 to index
        %parallel_loop3A_85 = arith.index_cast %parallel_loop3A_41 : i32 to index
        %parallel_loop3A_86 = tpu.vector_load %arg4[%parallel_loop3A_84, %parallel_loop3A_85] {strides = array<i32>} : memref<64x1024xf32, #tpu.memory_space<vmem>>, vector<1x16xf32>,
        %parallel_loop3A_87 = vector.shape_cast %parallel_loop3A_86 : vector<1x16xf32> to vector<16xf32>
        %parallel_loop3A_88 = arith.addf %parallel_loop3A_82, %parallel_loop3A_87 : vector<16xf32>
        %parallel_loop3A_89 = arith.constant 56 : i32
        %parallel_loop3A_90 = arith.index_cast %parallel_loop3A_89 : i32 to index
        %parallel_loop3A_91 = arith.index_cast %parallel_loop3A_41 : i32 to index
        %parallel_loop3A_92 = tpu.vector_load %arg4[%parallel_loop3A_90, %parallel_loop3A_91] {strides = array<i32>} : memref<64x1024xf32, #tpu.memory_space<vmem>>, vector<1x16xf32>,
        %parallel_loop3A_93 = vector.shape_cast %parallel_loop3A_92 : vector<1x16xf32> to vector<16xf32>
        %parallel_loop3A_94 = arith.addf %parallel_loop3A_88, %parallel_loop3A_93 : vector<16xf32>
        %parallel_loop3A_95 = arith.constant 57 : i32
        %parallel_loop3A_96 = arith.index_cast %parallel_loop3A_95 : i32 to index
        %parallel_loop3A_97 = arith.index_cast %parallel_loop3A_41 : i32 to index
        %parallel_loop3A_98 = tpu.vector_load %arg4[%parallel_loop3A_96, %parallel_loop3A_97] {strides = array<i32>} : memref<64x1024xf32, #tpu.memory_space<vmem>>, vector<1x16xf32>,
        %parallel_loop3A_99 = vector.shape_cast %parallel_loop3A_98 : vector<1x16xf32> to vector<16xf32>
        %parallel_loop3A_100 = arith.addf %parallel_loop3A_94, %parallel_loop3A_99 : vector<16xf32>
        %parallel_loop3A_101 = arith.constant 58 : i32
        %parallel_loop3A_102 = arith.index_cast %parallel_loop3A_101 : i32 to index
        %parallel_loop3A_103 = arith.index_cast %parallel_loop3A_41 : i32 to index
        %parallel_loop3A_104 = tpu.vector_load %arg4[%parallel_loop3A_102, %parallel_loop3A_103] {strides = array<i32>} : memref<64x1024xf32, #tpu.memory_space<vmem>>, vector<1x16xf32>,
        %parallel_loop3A_105 = vector.shape_cast %parallel_loop3A_104 : vector<1x16xf32> to vector<16xf32>
        %parallel_loop3A_106 = arith.addf %parallel_loop3A_100, %parallel_loop3A_105 : vector<16xf32>
        %parallel_loop3A_107 = arith.constant 59 : i32
        %parallel_loop3A_108 = arith.index_cast %parallel_loop3A_107 : i32 to index
        %parallel_loop3A_109 = arith.index_cast %parallel_loop3A_41 : i32 to index
        %parallel_loop3A_110 = tpu.vector_load %arg4[%parallel_loop3A_108, %parallel_loop3A_109] {strides = array<i32>} : memref<64x1024xf32, #tpu.memory_space<vmem>>, vector<1x16xf32>,
        %parallel_loop3A_111 = vector.shape_cast %parallel_loop3A_110 : vector<1x16xf32> to vector<16xf32>
        %parallel_loop3A_112 = arith.addf %parallel_loop3A_106, %parallel_loop3A_111 : vector<16xf32>
        %parallel_loop3A_113 = arith.constant 60 : i32
        %parallel_loop3A_114 = arith.index_cast %parallel_loop3A_113 : i32 to index
        %parallel_loop3A_115 = arith.index_cast %parallel_loop3A_41 : i32 to index
        %parallel_loop3A_116 = tpu.vector_load %arg4[%parallel_loop3A_114, %parallel_loop3A_115] {strides = array<i32>} : memref<64x1024xf32, #tpu.memory_space<vmem>>, vector<1x16xf32>,
        %parallel_loop3A_117 = vector.shape_cast %parallel_loop3A_116 : vector<1x16xf32> to vector<16xf32>
        %parallel_loop3A_118 = arith.addf %parallel_loop3A_112, %parallel_loop3A_117 : vector<16xf32>
        %parallel_loop3A_119 = arith.constant 61 : i32
        %parallel_loop3A_120 = arith.index_cast %parallel_loop3A_119 : i32 to index
        %parallel_loop3A_121 = arith.index_cast %parallel_loop3A_41 : i32 to index
        %parallel_loop3A_122 = tpu.vector_load %arg4[%parallel_loop3A_120, %parallel_loop3A_121] {strides = array<i32>} : memref<64x1024xf32, #tpu.memory_space<vmem>>, vector<1x16xf32>,
        %parallel_loop3A_123 = vector.shape_cast %parallel_loop3A_122 : vector<1x16xf32> to vector<16xf32>
        %parallel_loop3A_124 = arith.addf %parallel_loop3A_118, %parallel_loop3A_123 : vector<16xf32>
        %parallel_loop3A_125 = arith.constant 62 : i32
        %parallel_loop3A_126 = arith.index_cast %parallel_loop3A_125 : i32 to index
        %parallel_loop3A_127 = arith.index_cast %parallel_loop3A_41 : i32 to index
        %parallel_loop3A_128 = tpu.vector_load %arg4[%parallel_loop3A_126, %parallel_loop3A_127] {strides = array<i32>} : memref<64x1024xf32, #tpu.memory_space<vmem>>, vector<1x16xf32>,
        %parallel_loop3A_129 = vector.shape_cast %parallel_loop3A_128 : vector<1x16xf32> to vector<16xf32>
        %parallel_loop3A_130 = arith.addf %parallel_loop3A_124, %parallel_loop3A_129 : vector<16xf32>
        %parallel_loop3A_131 = arith.constant 63 : i32
        %parallel_loop3A_132 = arith.index_cast %parallel_loop3A_131 : i32 to index
        %parallel_loop3A_133 = arith.index_cast %parallel_loop3A_41 : i32 to index
        %parallel_loop3A_134 = tpu.vector_load %arg4[%parallel_loop3A_132, %parallel_loop3A_133] {strides = array<i32>} : memref<64x1024xf32, #tpu.memory_space<vmem>>, vector<1x16xf32>,
        %parallel_loop3A_135 = vector.shape_cast %parallel_loop3A_134 : vector<1x16xf32> to vector<16xf32>
        %parallel_loop3A_136 = arith.addf %parallel_loop3A_130, %parallel_loop3A_135 : vector<16xf32>
        %parallel_loop3A_137 = arith.constant 6.250000e-02 : f32
        %parallel_loop3A_138 = vector.broadcast %parallel_loop3A_137 : f32 to vector<16xf32>
        %parallel_loop3A_139 = arith.mulf %parallel_loop3A_136, %parallel_loop3A_138 : vector<16xf32>
        %parallel_loop3A_140 = arith.constant 4 : i32
        %parallel_loop3A_141 = arith.muli %scan3A_14, %parallel_loop3A_140 : i32
        %parallel_loop3A_142 = arith.constant 3 : i32
        %parallel_loop3A_143 = arith.addi %parallel_loop3A_141, %parallel_loop3A_142 : i32
        %parallel_loop3A_144 = arith.index_cast %parallel_loop3A_143 : i32 to index
        %parallel_loop3A_145 = arith.index_cast %parallel_loop3A_41 : i32 to index
        %parallel_loop3A_146 = tpu.vector_load %arg5[%parallel_loop3A_144, %parallel_loop3A_145] {strides = array<i32>} : memref<32x1024xf32, #tpu.memory_space<vmem>>, vector<1x16xf32>,
        %parallel_loop3A_147 = vector.shape_cast %parallel_loop3A_146 : vector<1x16xf32> to vector<16xf32>
        %parallel_loop3A_148 = vector.shape_cast %parallel_loop3A_139 : vector<16xf32> to vector<1x16xf32>
        tpu.vector_store %arg5[%parallel_loop3A_144, %parallel_loop3A_145], %parallel_loop3A_148 {strides = array<i32>} : memref<32x1024xf32, #tpu.memory_space<vmem>>, vector<1x16xf32>,
      } {sc.loop_unroll_factor = 2 : i64, sc.parallel_access}
    }
    %scan3A_7 = arith.constant 8 : i32
    %dma_start3A = arith.constant 0 : i32
    %dma_start3A_8 = tpu.memref_slice %arg3[%mul3A_2, %dma_start3A] : memref<1024x1024xf32, #tpu.memory_space<hbm>> -> memref<32x1024xf32, #tpu.memory_space<hbm>>
    %dma_start3A_9 = arith.constant 0 : i32
    %dma_start3A_10 = tpu.memref_slice %arg3[%mul3A_2, %dma_start3A_9] : memref<1024x1024xf32, #tpu.memory_space<hbm>> -> memref<32x1024xf32, #tpu.memory_space<hbm>>
    tpu.enqueue_dma source(%arg5 : memref<32x1024xf32, #tpu.memory_space<vmem>>) target(%dma_start3A_10 : memref<32x1024xf32, #tpu.memory_space<hbm>>) target_semaphore(%arg6 : memref<!tpu.dma_semaphore, #tpu.memory_space<semaphore_mem>>)
    %dma_wait3A = arith.constant 0 : i32
    %dma_wait3A_11 = tpu.memref_slice %arg3[%mul3A_2, %dma_wait3A] : memref<1024x1024xf32, #tpu.memory_space<hbm>> -> memref<32x1024xf32, #tpu.memory_space<hbm>>
    %dma_wait3A_12 = arith.constant 0 : i32
    %dma_wait3A_13 = tpu.memref_slice %arg3[%mul3A_2, %dma_wait3A_12] : memref<1024x1024xf32, #tpu.memory_space<hbm>> -> memref<32x1024xf32, #tpu.memory_space<hbm>>
    tpu.wait_dma2 semaphore(%arg6 : memref<!tpu.dma_semaphore, #tpu.memory_space<semaphore_mem>>) src(%arg5 : memref<32x1024xf32, #tpu.memory_space<vmem>>) dst(%dma_wait3A_13 : memref<32x1024xf32, #tpu.memory_space<hbm>>)
    return
  }
}

#map = affine_map<(d0, d1) -> (0)>
#map1 = affine_map<(d0, d1) -> (0, 0)>
module attributes {stable_mosaic.version = 14 : i64} {
  func.func @_gather_sc_body(%arg0: i32, %arg1: i32, %arg2: memref<512xi32, #tpu.memory_space<hbm>>, %arg3: memref<16384x1024xf32, #tpu.memory_space<hbm>>, %arg4: memref<512x1024xf32, #tpu.memory_space<hbm>>, %arg5: memref<16xi32, #tpu.memory_space<vmem>>, %arg6: memref<16x1024xf32, #tpu.memory_space<vmem>>, %arg7: memref<!tpu.dma_semaphore, #tpu.memory_space<semaphore_mem>>) attributes {dimension_semantics = [#tpu.dimension_semantics<core_parallel>, #tpu.dimension_semantics<subcore_parallel>], iteration_bounds = array<i64: 2, 16>, scalar_prefetch = 0 : i64, scratch_operands = 3 : i64, tpu.core_type = #tpu.core_type<sc_vector_subcore>, window_params = [{transform_indices = #map}, {transform_indices = #map1}, {transform_indices = #map1}]} {
    %mul3A = arith.constant 2 : i32
    %mul3A_0 = arith.muli %arg1, %mul3A : i32
    %add3A = arith.addi %mul3A_0, %arg0 : i32
    %mul3A_1 = arith.constant 16 : i32
    %mul3A_2 = arith.muli %add3A, %mul3A_1 : i32
    %dma_start3A = tpu.memref_slice %arg2[%mul3A_2] : memref<512xi32, #tpu.memory_space<hbm>> -> memref<16xi32, #tpu.memory_space<hbm>>
    %dma_start3A_3 = tpu.memref_slice %arg2[%mul3A_2] : memref<512xi32, #tpu.memory_space<hbm>> -> memref<16xi32, #tpu.memory_space<hbm>>
    tpu.enqueue_dma source(%dma_start3A_3 : memref<16xi32, #tpu.memory_space<hbm>>) target(%arg5 : memref<16xi32, #tpu.memory_space<vmem>>) target_semaphore(%arg7 : memref<!tpu.dma_semaphore, #tpu.memory_space<semaphore_mem>>)
    %dma_wait3A = tpu.memref_slice %arg2[%mul3A_2] : memref<512xi32, #tpu.memory_space<hbm>> -> memref<16xi32, #tpu.memory_space<hbm>>
    %dma_wait3A_4 = tpu.memref_slice %arg2[%mul3A_2] : memref<512xi32, #tpu.memory_space<hbm>> -> memref<16xi32, #tpu.memory_space<hbm>>
    tpu.wait_dma2 semaphore(%arg7 : memref<!tpu.dma_semaphore, #tpu.memory_space<semaphore_mem>>) src(%dma_wait3A_4 : memref<16xi32, #tpu.memory_space<hbm>>) dst(%arg5 : memref<16xi32, #tpu.memory_space<vmem>>)
    %dma_start3A_5 = arith.constant 0 : i32
    %dma_start3A_6 = arith.constant 0 : i32
    %dma_start3A_7 = tpu.memref_slice %arg3[%dma_start3A_5, %dma_start3A_6] : memref<16384x1024xf32, #tpu.memory_space<hbm>> -> memref<16384x1024xf32, #tpu.memory_space<hbm>>
    tpu.enqueue_indirect_dma source(%dma_start3A_7 : memref<16384x1024xf32, #tpu.memory_space<hbm>>) target(%arg6 : memref<16x1024xf32, #tpu.memory_space<vmem>>) offsets(%arg5 : memref<16xi32, #tpu.memory_space<vmem>>) semaphore(%arg7 : memref<!tpu.dma_semaphore, #tpu.memory_space<semaphore_mem>>)
    %dma_wait3A_8 = arith.constant 0 : i32
    %dma_wait3A_9 = arith.constant 0 : i32
    %dma_wait3A_10 = tpu.memref_slice %arg3[%dma_wait3A_8, %dma_wait3A_9] : memref<16384x1024xf32, #tpu.memory_space<hbm>> -> memref<16384x1024xf32, #tpu.memory_space<hbm>>
    tpu.wait_indirect_dma semaphore(%arg7 : memref<!tpu.dma_semaphore, #tpu.memory_space<semaphore_mem>>) src(%dma_wait3A_10 : memref<16384x1024xf32, #tpu.memory_space<hbm>>) dst(%arg6 : memref<16x1024xf32, #tpu.memory_space<vmem>>)
    %mul3A_11 = arith.constant 16 : i32
    %mul3A_12 = arith.muli %add3A, %mul3A_11 : i32
    %dma_start3A_13 = arith.constant 0 : i32
    %dma_start3A_14 = tpu.memref_slice %arg4[%mul3A_12, %dma_start3A_13] : memref<512x1024xf32, #tpu.memory_space<hbm>> -> memref<16x1024xf32, #tpu.memory_space<hbm>>
    %dma_start3A_15 = arith.constant 0 : i32
    %dma_start3A_16 = tpu.memref_slice %arg4[%mul3A_12, %dma_start3A_15] : memref<512x1024xf32, #tpu.memory_space<hbm>> -> memref<16x1024xf32, #tpu.memory_space<hbm>>
    tpu.enqueue_dma source(%arg6 : memref<16x1024xf32, #tpu.memory_space<vmem>>) target(%dma_start3A_16 : memref<16x1024xf32, #tpu.memory_space<hbm>>) target_semaphore(%arg7 : memref<!tpu.dma_semaphore, #tpu.memory_space<semaphore_mem>>)
    %dma_wait3A_17 = arith.constant 0 : i32
    %dma_wait3A_18 = tpu.memref_slice %arg4[%mul3A_12, %dma_wait3A_17] : memref<512x1024xf32, #tpu.memory_space<hbm>> -> memref<16x1024xf32, #tpu.memory_space<hbm>>
    %dma_wait3A_19 = arith.constant 0 : i32
    %dma_wait3A_20 = tpu.memref_slice %arg4[%mul3A_12, %dma_wait3A_19] : memref<512x1024xf32, #tpu.memory_space<hbm>> -> memref<16x1024xf32, #tpu.memory_space<hbm>>
    tpu.wait_dma2 semaphore(%arg7 : memref<!tpu.dma_semaphore, #tpu.memory_space<semaphore_mem>>) src(%arg6 : memref<16x1024xf32, #tpu.memory_space<vmem>>) dst(%dma_wait3A_20 : memref<16x1024xf32, #tpu.memory_space<hbm>>)
    return
  }
}

module attributes {stable_mosaic.version = 14 : i64} {
  func.func @_sim_topk_body(%arg0: memref<4x1024xf32, #tpu.memory_space<vmem>>, %arg1: memref<1024x1024xf32, #tpu.memory_space<vmem>>, %arg2: memref<4x1024xf32, #tpu.memory_space<vmem>>, %arg3: memref<4x8xi32, #tpu.memory_space<vmem>>, %arg4: memref<1x1xf32, #tpu.memory_space<smem>>, %arg5: memref<4x128xi32, #tpu.memory_space<vmem>>) attributes {dimension_semantics = [], scalar_prefetch = 0 : i64, scratch_operands = 0 : i64, tpu.core_type = #tpu.core_type<tc>} {
    %get3A = arith.constant 0 : index
    %get3A_0 = arith.constant 0 : index
    %get3A_1 = vector.load %arg0[%get3A, %get3A_0] : memref<4x1024xf32, #tpu.memory_space<vmem>>, vector<4x1024xf32>
    %mul3A = arith.constant 1.22070313E-4 : f32
    %mul3A_2 = vector.broadcast %mul3A : f32 to vector<4x1024xf32>
    %mul3A_3 = arith.mulf %get3A_1, %mul3A_2 : vector<4x1024xf32>
    %mul3A_4 = arith.mulf %mul3A_3, %mul3A_3 : vector<4x1024xf32>
    %reduce_sum3A = arith.constant dense<0.000000e+00> : vector<4xf32>
    %reduce_sum3A_5 = vector.multi_reduction <add>, %mul3A_4, %reduce_sum3A [1] : vector<4x1024xf32> to vector<4xf32>
    %broadcast_in_dim3A = vector.shape_cast %reduce_sum3A_5 : vector<4xf32> to vector<4x1xf32>
    %max3A = arith.constant 9.99999996E-13 : f32
    %max3A_6 = vector.broadcast %max3A : f32 to vector<4x1xf32>
    %max3A_7 = arith.maximumf %broadcast_in_dim3A, %max3A_6 : vector<4x1xf32>
    %rsqrt3A = math.rsqrt %max3A_7 : vector<4x1xf32>
    %mul3A_8 = vector.broadcast %rsqrt3A : vector<4x1xf32> to vector<4x1024xf32>
    %mul3A_9 = arith.mulf %mul3A_3, %mul3A_8 : vector<4x1024xf32>
    %get3A_10 = arith.constant 0 : index
    %get3A_11 = arith.constant 0 : index
    %get3A_12 = vector.load %arg1[%get3A_10, %get3A_11] : memref<1024x1024xf32, #tpu.memory_space<vmem>>, vector<1024x1024xf32>
    %mul3A_13 = arith.mulf %get3A_12, %get3A_12 : vector<1024x1024xf32>
    %reduce_sum3A_14 = arith.constant dense<0.000000e+00> : vector<1024xf32>
    %reduce_sum3A_15 = vector.multi_reduction <add>, %mul3A_13, %reduce_sum3A_14 [1] : vector<1024x1024xf32> to vector<1024xf32>
    %broadcast_in_dim3A_16 = vector.shape_cast %reduce_sum3A_15 : vector<1024xf32> to vector<1024x1xf32>
    %max3A_17 = arith.constant 9.99999996E-13 : f32
    %max3A_18 = vector.broadcast %max3A_17 : f32 to vector<1024x1xf32>
    %max3A_19 = arith.maximumf %broadcast_in_dim3A_16, %max3A_18 : vector<1024x1xf32>
    %rsqrt3A_20 = math.rsqrt %max3A_19 : vector<1024x1xf32>
    %mul3A_21 = vector.broadcast %rsqrt3A_20 : vector<1024x1xf32> to vector<1024x1024xf32>
    %mul3A_22 = arith.mulf %get3A_12, %mul3A_21 : vector<1024x1024xf32>
    %dot_general3A = arith.constant dense<0.000000e+00> : vector<4x1024xf32>
    %dot_general3A_23 = tpu.matmul %mul3A_9, %mul3A_22, %dot_general3A {dimension_numbers = #tpu.dot_dimension_numbers<[1], [1], [0], [0], [0, 0, 1, 0], [], []>, transpose_lhs_hint = false} : vector<4x1024xf32>, vector<1024x1024xf32>, vector<4x1024xf32> -> vector<4x1024xf32>
    %swap3A = arith.constant 0 : index
    %swap3A_24 = arith.constant 0 : index
    %swap3A_25 = vector.load %arg2[%swap3A, %swap3A_24] : memref<4x1024xf32, #tpu.memory_space<vmem>>, vector<4x1024xf32>
    tpu.vector_store %arg2[%swap3A, %swap3A_24], %dot_general3A_23 {strides = array<i32>} : memref<4x1024xf32, #tpu.memory_space<vmem>>, vector<4x1024xf32>,
    %iota3A = tpu.iota {dimensions = array<i32: 1>} : vector<4x1024xi32>
    %reduce_max3A = arith.constant dense<0xFF800000> : vector<4xf32>
    %reduce_max3A_26 = vector.multi_reduction <maximumf>, %dot_general3A_23, %reduce_max3A [1] : vector<4x1024xf32> to vector<4xf32>
    %broadcast_in_dim3A_27 = vector.shape_cast %reduce_max3A_26 : vector<4xf32> to vector<4x1xf32>
    %eq3A = vector.broadcast %broadcast_in_dim3A_27 : vector<4x1xf32> to vector<4x1024xf32>
    %eq3A_28 = arith.cmpf oeq, %dot_general3A_23, %eq3A : vector<4x1024xf32>
    %jit3A = arith.constant 1024 : i32
    %broadcast_in_dim3A_29 = vector.broadcast %jit3A : i32 to vector<4x1024xi32>
    %select_n3A = arith.select %eq3A_28, %iota3A, %broadcast_in_dim3A_29 : vector<4x1024xi1>, vector<4x1024xi32>
    %reduce_min3A = arith.constant dense<2147483647> : vector<4xi32>
    %reduce_min3A_30 = vector.multi_reduction <minsi>, %select_n3A, %reduce_min3A [1] : vector<4x1024xi32> to vector<4xi32>
    %broadcast_in_dim3A_31 = vector.shape_cast %reduce_min3A_30 : vector<4xi32> to vector<4x1xi32>
    %reduce_sum3A_32 = vector.shape_cast %broadcast_in_dim3A_27 : vector<4x1xf32> to vector<1x4x1xf32>
    %reduce_sum3A_33 = arith.constant dense<0.000000e+00> : vector<1xf32>
    %reduce_sum3A_34 = vector.multi_reduction <add>, %reduce_sum3A_32, %reduce_sum3A_33 [1, 2] : vector<1x4x1xf32> to vector<1xf32>
    %reduce_sum3A_35 = vector.shape_cast %reduce_sum3A_34 : vector<1xf32> to vector<1x1x1xf32>
    %reduce_sum3A_36 = vector.extract %reduce_sum3A_35[0, 0, 0] : f32 from vector<1x1x1xf32>
    %add3A = arith.constant 0.000000e+00 : f32
    %add3A_37 = arith.addf %add3A, %reduce_sum3A_36 : f32
    %eq3A_38 = vector.broadcast %broadcast_in_dim3A_31 : vector<4x1xi32> to vector<4x1024xi32>
    %eq3A_39 = arith.cmpi eq, %iota3A, %eq3A_38 : vector<4x1024xi32>
    %jit3A_40 = arith.constant 0xFF800000 : f32
    %broadcast_in_dim3A_41 = vector.broadcast %jit3A_40 : f32 to vector<4x1024xf32>
    %select_n3A_42 = arith.select %eq3A_39, %broadcast_in_dim3A_41, %dot_general3A_23 : vector<4x1024xi1>, vector<4x1024xf32>
    %reduce_max3A_43 = arith.constant dense<0xFF800000> : vector<4xf32>
    %reduce_max3A_44 = vector.multi_reduction <maximumf>, %select_n3A_42, %reduce_max3A_43 [1] : vector<4x1024xf32> to vector<4xf32>
    %broadcast_in_dim3A_45 = vector.shape_cast %reduce_max3A_44 : vector<4xf32> to vector<4x1xf32>
    %eq3A_46 = vector.broadcast %broadcast_in_dim3A_45 : vector<4x1xf32> to vector<4x1024xf32>
    %eq3A_47 = arith.cmpf oeq, %select_n3A_42, %eq3A_46 : vector<4x1024xf32>
    %jit3A_48 = arith.constant 1024 : i32
    %broadcast_in_dim3A_49 = vector.broadcast %jit3A_48 : i32 to vector<4x1024xi32>
    %select_n3A_50 = arith.select %eq3A_47, %iota3A, %broadcast_in_dim3A_49 : vector<4x1024xi1>, vector<4x1024xi32>
    %reduce_min3A_51 = arith.constant dense<2147483647> : vector<4xi32>
    %reduce_min3A_52 = vector.multi_reduction <minsi>, %select_n3A_50, %reduce_min3A_51 [1] : vector<4x1024xi32> to vector<4xi32>
    %broadcast_in_dim3A_53 = vector.shape_cast %reduce_min3A_52 : vector<4xi32> to vector<4x1xi32>
    %reduce_sum3A_54 = vector.shape_cast %broadcast_in_dim3A_45 : vector<4x1xf32> to vector<1x4x1xf32>
    %reduce_sum3A_55 = arith.constant dense<0.000000e+00> : vector<1xf32>
    %reduce_sum3A_56 = vector.multi_reduction <add>, %reduce_sum3A_54, %reduce_sum3A_55 [1, 2] : vector<1x4x1xf32> to vector<1xf32>
    %reduce_sum3A_57 = vector.shape_cast %reduce_sum3A_56 : vector<1xf32> to vector<1x1x1xf32>
    %reduce_sum3A_58 = vector.extract %reduce_sum3A_57[0, 0, 0] : f32 from vector<1x1x1xf32>
    %add3A_59 = arith.addf %add3A_37, %reduce_sum3A_58 : f32
    %eq3A_60 = vector.broadcast %broadcast_in_dim3A_53 : vector<4x1xi32> to vector<4x1024xi32>
    %eq3A_61 = arith.cmpi eq, %iota3A, %eq3A_60 : vector<4x1024xi32>
    %jit3A_62 = arith.constant 0xFF800000 : f32
    %broadcast_in_dim3A_63 = vector.broadcast %jit3A_62 : f32 to vector<4x1024xf32>
    %select_n3A_64 = arith.select %eq3A_61, %broadcast_in_dim3A_63, %select_n3A_42 : vector<4x1024xi1>, vector<4x1024xf32>
    %reduce_max3A_65 = arith.constant dense<0xFF800000> : vector<4xf32>
    %reduce_max3A_66 = vector.multi_reduction <maximumf>, %select_n3A_64, %reduce_max3A_65 [1] : vector<4x1024xf32> to vector<4xf32>
    %broadcast_in_dim3A_67 = vector.shape_cast %reduce_max3A_66 : vector<4xf32> to vector<4x1xf32>
    %eq3A_68 = vector.broadcast %broadcast_in_dim3A_67 : vector<4x1xf32> to vector<4x1024xf32>
    %eq3A_69 = arith.cmpf oeq, %select_n3A_64, %eq3A_68 : vector<4x1024xf32>
    %jit3A_70 = arith.constant 1024 : i32
    %broadcast_in_dim3A_71 = vector.broadcast %jit3A_70 : i32 to vector<4x1024xi32>
    %select_n3A_72 = arith.select %eq3A_69, %iota3A, %broadcast_in_dim3A_71 : vector<4x1024xi1>, vector<4x1024xi32>
    %reduce_min3A_73 = arith.constant dense<2147483647> : vector<4xi32>
    %reduce_min3A_74 = vector.multi_reduction <minsi>, %select_n3A_72, %reduce_min3A_73 [1] : vector<4x1024xi32> to vector<4xi32>
    %broadcast_in_dim3A_75 = vector.shape_cast %reduce_min3A_74 : vector<4xi32> to vector<4x1xi32>
    %reduce_sum3A_76 = vector.shape_cast %broadcast_in_dim3A_67 : vector<4x1xf32> to vector<1x4x1xf32>
    %reduce_sum3A_77 = arith.constant dense<0.000000e+00> : vector<1xf32>
    %reduce_sum3A_78 = vector.multi_reduction <add>, %reduce_sum3A_76, %reduce_sum3A_77 [1, 2] : vector<1x4x1xf32> to vector<1xf32>
    %reduce_sum3A_79 = vector.shape_cast %reduce_sum3A_78 : vector<1xf32> to vector<1x1x1xf32>
    %reduce_sum3A_80 = vector.extract %reduce_sum3A_79[0, 0, 0] : f32 from vector<1x1x1xf32>
    %add3A_81 = arith.addf %add3A_59, %reduce_sum3A_80 : f32
    %eq3A_82 = vector.broadcast %broadcast_in_dim3A_75 : vector<4x1xi32> to vector<4x1024xi32>
    %eq3A_83 = arith.cmpi eq, %iota3A, %eq3A_82 : vector<4x1024xi32>
    %jit3A_84 = arith.constant 0xFF800000 : f32
    %broadcast_in_dim3A_85 = vector.broadcast %jit3A_84 : f32 to vector<4x1024xf32>
    %select_n3A_86 = arith.select %eq3A_83, %broadcast_in_dim3A_85, %select_n3A_64 : vector<4x1024xi1>, vector<4x1024xf32>
    %reduce_max3A_87 = arith.constant dense<0xFF800000> : vector<4xf32>
    %reduce_max3A_88 = vector.multi_reduction <maximumf>, %select_n3A_86, %reduce_max3A_87 [1] : vector<4x1024xf32> to vector<4xf32>
    %broadcast_in_dim3A_89 = vector.shape_cast %reduce_max3A_88 : vector<4xf32> to vector<4x1xf32>
    %eq3A_90 = vector.broadcast %broadcast_in_dim3A_89 : vector<4x1xf32> to vector<4x1024xf32>
    %eq3A_91 = arith.cmpf oeq, %select_n3A_86, %eq3A_90 : vector<4x1024xf32>
    %jit3A_92 = arith.constant 1024 : i32
    %broadcast_in_dim3A_93 = vector.broadcast %jit3A_92 : i32 to vector<4x1024xi32>
    %select_n3A_94 = arith.select %eq3A_91, %iota3A, %broadcast_in_dim3A_93 : vector<4x1024xi1>, vector<4x1024xi32>
    %reduce_min3A_95 = arith.constant dense<2147483647> : vector<4xi32>
    %reduce_min3A_96 = vector.multi_reduction <minsi>, %select_n3A_94, %reduce_min3A_95 [1] : vector<4x1024xi32> to vector<4xi32>
    %broadcast_in_dim3A_97 = vector.shape_cast %reduce_min3A_96 : vector<4xi32> to vector<4x1xi32>
    %reduce_sum3A_98 = vector.shape_cast %broadcast_in_dim3A_89 : vector<4x1xf32> to vector<1x4x1xf32>
    %reduce_sum3A_99 = arith.constant dense<0.000000e+00> : vector<1xf32>
    %reduce_sum3A_100 = vector.multi_reduction <add>, %reduce_sum3A_98, %reduce_sum3A_99 [1, 2] : vector<1x4x1xf32> to vector<1xf32>
    %reduce_sum3A_101 = vector.shape_cast %reduce_sum3A_100 : vector<1xf32> to vector<1x1x1xf32>
    %reduce_sum3A_102 = vector.extract %reduce_sum3A_101[0, 0, 0] : f32 from vector<1x1x1xf32>
    %add3A_103 = arith.addf %add3A_81, %reduce_sum3A_102 : f32
    %eq3A_104 = vector.broadcast %broadcast_in_dim3A_97 : vector<4x1xi32> to vector<4x1024xi32>
    %eq3A_105 = arith.cmpi eq, %iota3A, %eq3A_104 : vector<4x1024xi32>
    %jit3A_106 = arith.constant 0xFF800000 : f32
    %broadcast_in_dim3A_107 = vector.broadcast %jit3A_106 : f32 to vector<4x1024xf32>
    %select_n3A_108 = arith.select %eq3A_105, %broadcast_in_dim3A_107, %select_n3A_86 : vector<4x1024xi1>, vector<4x1024xf32>
    %reduce_max3A_109 = arith.constant dense<0xFF800000> : vector<4xf32>
    %reduce_max3A_110 = vector.multi_reduction <maximumf>, %select_n3A_108, %reduce_max3A_109 [1] : vector<4x1024xf32> to vector<4xf32>
    %broadcast_in_dim3A_111 = vector.shape_cast %reduce_max3A_110 : vector<4xf32> to vector<4x1xf32>
    %eq3A_112 = vector.broadcast %broadcast_in_dim3A_111 : vector<4x1xf32> to vector<4x1024xf32>
    %eq3A_113 = arith.cmpf oeq, %select_n3A_108, %eq3A_112 : vector<4x1024xf32>
    %jit3A_114 = arith.constant 1024 : i32
    %broadcast_in_dim3A_115 = vector.broadcast %jit3A_114 : i32 to vector<4x1024xi32>
    %select_n3A_116 = arith.select %eq3A_113, %iota3A, %broadcast_in_dim3A_115 : vector<4x1024xi1>, vector<4x1024xi32>
    %reduce_min3A_117 = arith.constant dense<2147483647> : vector<4xi32>
    %reduce_min3A_118 = vector.multi_reduction <minsi>, %select_n3A_116, %reduce_min3A_117 [1] : vector<4x1024xi32> to vector<4xi32>
    %broadcast_in_dim3A_119 = vector.shape_cast %reduce_min3A_118 : vector<4xi32> to vector<4x1xi32>
    %reduce_sum3A_120 = vector.shape_cast %broadcast_in_dim3A_111 : vector<4x1xf32> to vector<1x4x1xf32>
    %reduce_sum3A_121 = arith.constant dense<0.000000e+00> : vector<1xf32>
    %reduce_sum3A_122 = vector.multi_reduction <add>, %reduce_sum3A_120, %reduce_sum3A_121 [1, 2] : vector<1x4x1xf32> to vector<1xf32>
    %reduce_sum3A_123 = vector.shape_cast %reduce_sum3A_122 : vector<1xf32> to vector<1x1x1xf32>
    %reduce_sum3A_124 = vector.extract %reduce_sum3A_123[0, 0, 0] : f32 from vector<1x1x1xf32>
    %add3A_125 = arith.addf %add3A_103, %reduce_sum3A_124 : f32
    %eq3A_126 = vector.broadcast %broadcast_in_dim3A_119 : vector<4x1xi32> to vector<4x1024xi32>
    %eq3A_127 = arith.cmpi eq, %iota3A, %eq3A_126 : vector<4x1024xi32>
    %jit3A_128 = arith.constant 0xFF800000 : f32
    %broadcast_in_dim3A_129 = vector.broadcast %jit3A_128 : f32 to vector<4x1024xf32>
    %select_n3A_130 = arith.select %eq3A_127, %broadcast_in_dim3A_129, %select_n3A_108 : vector<4x1024xi1>, vector<4x1024xf32>
    %reduce_max3A_131 = arith.constant dense<0xFF800000> : vector<4xf32>
    %reduce_max3A_132 = vector.multi_reduction <maximumf>, %select_n3A_130, %reduce_max3A_131 [1] : vector<4x1024xf32> to vector<4xf32>
    %broadcast_in_dim3A_133 = vector.shape_cast %reduce_max3A_132 : vector<4xf32> to vector<4x1xf32>
    %eq3A_134 = vector.broadcast %broadcast_in_dim3A_133 : vector<4x1xf32> to vector<4x1024xf32>
    %eq3A_135 = arith.cmpf oeq, %select_n3A_130, %eq3A_134 : vector<4x1024xf32>
    %jit3A_136 = arith.constant 1024 : i32
    %broadcast_in_dim3A_137 = vector.broadcast %jit3A_136 : i32 to vector<4x1024xi32>
    %select_n3A_138 = arith.select %eq3A_135, %iota3A, %broadcast_in_dim3A_137 : vector<4x1024xi1>, vector<4x1024xi32>
    %reduce_min3A_139 = arith.constant dense<2147483647> : vector<4xi32>
    %reduce_min3A_140 = vector.multi_reduction <minsi>, %select_n3A_138, %reduce_min3A_139 [1] : vector<4x1024xi32> to vector<4xi32>
    %broadcast_in_dim3A_141 = vector.shape_cast %reduce_min3A_140 : vector<4xi32> to vector<4x1xi32>
    %reduce_sum3A_142 = vector.shape_cast %broadcast_in_dim3A_133 : vector<4x1xf32> to vector<1x4x1xf32>
    %reduce_sum3A_143 = arith.constant dense<0.000000e+00> : vector<1xf32>
    %reduce_sum3A_144 = vector.multi_reduction <add>, %reduce_sum3A_142, %reduce_sum3A_143 [1, 2] : vector<1x4x1xf32> to vector<1xf32>
    %reduce_sum3A_145 = vector.shape_cast %reduce_sum3A_144 : vector<1xf32> to vector<1x1x1xf32>
    %reduce_sum3A_146 = vector.extract %reduce_sum3A_145[0, 0, 0] : f32 from vector<1x1x1xf32>
    %add3A_147 = arith.addf %add3A_125, %reduce_sum3A_146 : f32
    %eq3A_148 = vector.broadcast %broadcast_in_dim3A_141 : vector<4x1xi32> to vector<4x1024xi32>
    %eq3A_149 = arith.cmpi eq, %iota3A, %eq3A_148 : vector<4x1024xi32>
    %jit3A_150 = arith.constant 0xFF800000 : f32
    %broadcast_in_dim3A_151 = vector.broadcast %jit3A_150 : f32 to vector<4x1024xf32>
    %select_n3A_152 = arith.select %eq3A_149, %broadcast_in_dim3A_151, %select_n3A_130 : vector<4x1024xi1>, vector<4x1024xf32>
    %reduce_max3A_153 = arith.constant dense<0xFF800000> : vector<4xf32>
    %reduce_max3A_154 = vector.multi_reduction <maximumf>, %select_n3A_152, %reduce_max3A_153 [1] : vector<4x1024xf32> to vector<4xf32>
    %broadcast_in_dim3A_155 = vector.shape_cast %reduce_max3A_154 : vector<4xf32> to vector<4x1xf32>
    %eq3A_156 = vector.broadcast %broadcast_in_dim3A_155 : vector<4x1xf32> to vector<4x1024xf32>
    %eq3A_157 = arith.cmpf oeq, %select_n3A_152, %eq3A_156 : vector<4x1024xf32>
    %jit3A_158 = arith.constant 1024 : i32
    %broadcast_in_dim3A_159 = vector.broadcast %jit3A_158 : i32 to vector<4x1024xi32>
    %select_n3A_160 = arith.select %eq3A_157, %iota3A, %broadcast_in_dim3A_159 : vector<4x1024xi1>, vector<4x1024xi32>
    %reduce_min3A_161 = arith.constant dense<2147483647> : vector<4xi32>
    %reduce_min3A_162 = vector.multi_reduction <minsi>, %select_n3A_160, %reduce_min3A_161 [1] : vector<4x1024xi32> to vector<4xi32>
    %broadcast_in_dim3A_163 = vector.shape_cast %reduce_min3A_162 : vector<4xi32> to vector<4x1xi32>
    %reduce_sum3A_164 = vector.shape_cast %broadcast_in_dim3A_155 : vector<4x1xf32> to vector<1x4x1xf32>
    %reduce_sum3A_165 = arith.constant dense<0.000000e+00> : vector<1xf32>
    %reduce_sum3A_166 = vector.multi_reduction <add>, %reduce_sum3A_164, %reduce_sum3A_165 [1, 2] : vector<1x4x1xf32> to vector<1xf32>
    %reduce_sum3A_167 = vector.shape_cast %reduce_sum3A_166 : vector<1xf32> to vector<1x1x1xf32>
    %reduce_sum3A_168 = vector.extract %reduce_sum3A_167[0, 0, 0] : f32 from vector<1x1x1xf32>
    %add3A_169 = arith.addf %add3A_147, %reduce_sum3A_168 : f32
    %eq3A_170 = vector.broadcast %broadcast_in_dim3A_163 : vector<4x1xi32> to vector<4x1024xi32>
    %eq3A_171 = arith.cmpi eq, %iota3A, %eq3A_170 : vector<4x1024xi32>
    %jit3A_172 = arith.constant 0xFF800000 : f32
    %broadcast_in_dim3A_173 = vector.broadcast %jit3A_172 : f32 to vector<4x1024xf32>
    %select_n3A_174 = arith.select %eq3A_171, %broadcast_in_dim3A_173, %select_n3A_152 : vector<4x1024xi1>, vector<4x1024xf32>
    %reduce_max3A_175 = arith.constant dense<0xFF800000> : vector<4xf32>
    %reduce_max3A_176 = vector.multi_reduction <maximumf>, %select_n3A_174, %reduce_max3A_175 [1] : vector<4x1024xf32> to vector<4xf32>
    %broadcast_in_dim3A_177 = vector.shape_cast %reduce_max3A_176 : vector<4xf32> to vector<4x1xf32>
    %eq3A_178 = vector.broadcast %broadcast_in_dim3A_177 : vector<4x1xf32> to vector<4x1024xf32>
    %eq3A_179 = arith.cmpf oeq, %select_n3A_174, %eq3A_178 : vector<4x1024xf32>
    %jit3A_180 = arith.constant 1024 : i32
    %broadcast_in_dim3A_181 = vector.broadcast %jit3A_180 : i32 to vector<4x1024xi32>
    %select_n3A_182 = arith.select %eq3A_179, %iota3A, %broadcast_in_dim3A_181 : vector<4x1024xi1>, vector<4x1024xi32>
    %reduce_min3A_183 = arith.constant dense<2147483647> : vector<4xi32>
    %reduce_min3A_184 = vector.multi_reduction <minsi>, %select_n3A_182, %reduce_min3A_183 [1] : vector<4x1024xi32> to vector<4xi32>
    %broadcast_in_dim3A_185 = vector.shape_cast %reduce_min3A_184 : vector<4xi32> to vector<4x1xi32>
    %reduce_sum3A_186 = vector.shape_cast %broadcast_in_dim3A_177 : vector<4x1xf32> to vector<1x4x1xf32>
    %reduce_sum3A_187 = arith.constant dense<0.000000e+00> : vector<1xf32>
    %reduce_sum3A_188 = vector.multi_reduction <add>, %reduce_sum3A_186, %reduce_sum3A_187 [1, 2] : vector<1x4x1xf32> to vector<1xf32>
    %reduce_sum3A_189 = vector.shape_cast %reduce_sum3A_188 : vector<1xf32> to vector<1x1x1xf32>
    %reduce_sum3A_190 = vector.extract %reduce_sum3A_189[0, 0, 0] : f32 from vector<1x1x1xf32>
    %add3A_191 = arith.addf %add3A_169, %reduce_sum3A_190 : f32
    %concatenate3A = tpu.concatenate %broadcast_in_dim3A_31, %broadcast_in_dim3A_53, %broadcast_in_dim3A_75, %broadcast_in_dim3A_97, %broadcast_in_dim3A_119, %broadcast_in_dim3A_141, %broadcast_in_dim3A_163, %broadcast_in_dim3A_185 in 1 : vector<4x1xi32>, vector<4x1xi32>, vector<4x1xi32>, vector<4x1xi32>, vector<4x1xi32>, vector<4x1xi32>, vector<4x1xi32>, vector<4x1xi32> -> vector<4x8xi32>
    %swap3A_192 = arith.constant 0 : index
    %swap3A_193 = arith.constant 0 : index
    %swap3A_194 = vector.load %arg3[%swap3A_192, %swap3A_193] : memref<4x8xi32, #tpu.memory_space<vmem>>, vector<4x8xi32>
    tpu.vector_store %arg3[%swap3A_192, %swap3A_193], %concatenate3A {strides = array<i32>} : memref<4x8xi32, #tpu.memory_space<vmem>>, vector<4x8xi32>,
    %mul3A_195 = arith.constant 2.500000e-01 : f32
    %mul3A_196 = arith.mulf %add3A_191, %mul3A_195 : f32
    %swap3A_197 = arith.constant 0 : index
    %swap3A_198 = arith.constant 0 : index
    %swap3A_199 = memref.load %arg4[%swap3A_197, %swap3A_198] : memref<1x1xf32, #tpu.memory_space<smem>>
    memref.store %mul3A_196, %arg4[%swap3A_197, %swap3A_198] : memref<1x1xf32, #tpu.memory_space<smem>>
    %iota3A_200 = tpu.iota {dimensions = array<i32: 1>} : vector<4x16xi32>
    %mul3A_201 = arith.constant 16 : i32
    %mul3A_202 = vector.broadcast %mul3A_201 : i32 to vector<4x1xi32>
    %mul3A_203 = arith.muli %broadcast_in_dim3A_31, %mul3A_202 : vector<4x1xi32>
    %add3A_204 = vector.broadcast %mul3A_203 : vector<4x1xi32> to vector<4x16xi32>
    %add3A_205 = arith.addi %add3A_204, %iota3A_200 : vector<4x16xi32>
    %mul3A_206 = arith.constant 16 : i32
    %mul3A_207 = vector.broadcast %mul3A_206 : i32 to vector<4x1xi32>
    %mul3A_208 = arith.muli %broadcast_in_dim3A_53, %mul3A_207 : vector<4x1xi32>
    %add3A_209 = vector.broadcast %mul3A_208 : vector<4x1xi32> to vector<4x16xi32>
    %add3A_210 = arith.addi %add3A_209, %iota3A_200 : vector<4x16xi32>
    %mul3A_211 = arith.constant 16 : i32
    %mul3A_212 = vector.broadcast %mul3A_211 : i32 to vector<4x1xi32>
    %mul3A_213 = arith.muli %broadcast_in_dim3A_75, %mul3A_212 : vector<4x1xi32>
    %add3A_214 = vector.broadcast %mul3A_213 : vector<4x1xi32> to vector<4x16xi32>
    %add3A_215 = arith.addi %add3A_214, %iota3A_200 : vector<4x16xi32>
    %mul3A_216 = arith.constant 16 : i32
    %mul3A_217 = vector.broadcast %mul3A_216 : i32 to vector<4x1xi32>
    %mul3A_218 = arith.muli %broadcast_in_dim3A_97, %mul3A_217 : vector<4x1xi32>
    %add3A_219 = vector.broadcast %mul3A_218 : vector<4x1xi32> to vector<4x16xi32>
    %add3A_220 = arith.addi %add3A_219, %iota3A_200 : vector<4x16xi32>
    %mul3A_221 = arith.constant 16 : i32
    %mul3A_222 = vector.broadcast %mul3A_221 : i32 to vector<4x1xi32>
    %mul3A_223 = arith.muli %broadcast_in_dim3A_119, %mul3A_222 : vector<4x1xi32>
    %add3A_224 = vector.broadcast %mul3A_223 : vector<4x1xi32> to vector<4x16xi32>
    %add3A_225 = arith.addi %add3A_224, %iota3A_200 : vector<4x16xi32>
    %mul3A_226 = arith.constant 16 : i32
    %mul3A_227 = vector.broadcast %mul3A_226 : i32 to vector<4x1xi32>
    %mul3A_228 = arith.muli %broadcast_in_dim3A_141, %mul3A_227 : vector<4x1xi32>
    %add3A_229 = vector.broadcast %mul3A_228 : vector<4x1xi32> to vector<4x16xi32>
    %add3A_230 = arith.addi %add3A_229, %iota3A_200 : vector<4x16xi32>
    %mul3A_231 = arith.constant 16 : i32
    %mul3A_232 = vector.broadcast %mul3A_231 : i32 to vector<4x1xi32>
    %mul3A_233 = arith.muli %broadcast_in_dim3A_163, %mul3A_232 : vector<4x1xi32>
    %add3A_234 = vector.broadcast %mul3A_233 : vector<4x1xi32> to vector<4x16xi32>
    %add3A_235 = arith.addi %add3A_234, %iota3A_200 : vector<4x16xi32>
    %mul3A_236 = arith.constant 16 : i32
    %mul3A_237 = vector.broadcast %mul3A_236 : i32 to vector<4x1xi32>
    %mul3A_238 = arith.muli %broadcast_in_dim3A_185, %mul3A_237 : vector<4x1xi32>
    %add3A_239 = vector.broadcast %mul3A_238 : vector<4x1xi32> to vector<4x16xi32>
    %add3A_240 = arith.addi %add3A_239, %iota3A_200 : vector<4x16xi32>
    %concatenate3A_241 = tpu.concatenate %add3A_205, %add3A_210, %add3A_215, %add3A_220, %add3A_225, %add3A_230, %add3A_235, %add3A_240 in 1 : vector<4x16xi32>, vector<4x16xi32>, vector<4x16xi32>, vector<4x16xi32>, vector<4x16xi32>, vector<4x16xi32>, vector<4x16xi32>, vector<4x16xi32> -> vector<4x128xi32>
    %swap3A_242 = arith.constant 0 : index
    %swap3A_243 = arith.constant 0 : index
    %swap3A_244 = vector.load %arg5[%swap3A_242, %swap3A_243] : memref<4x128xi32, #tpu.memory_space<vmem>>, vector<4x128xi32>
    tpu.vector_store %arg5[%swap3A_242, %swap3A_243], %concatenate3A_241 {strides = array<i32>} : memref<4x128xi32, #tpu.memory_space<vmem>>, vector<4x128xi32>,
    return
  }
}

module attributes {stable_mosaic.version = 14 : i64} {
  func.func @_copy_mean_body(%arg0: i32, %arg1: memref<4x512x1024xf32, #tpu.memory_space<vmem>>, %arg2: memref<4x1024xf32, #tpu.memory_space<vmem>>, %arg3: memref<4x8320x1024xf32, #tpu.memory_space<any>>, %arg4: memref<!tpu.dma_semaphore, #tpu.memory_space<semaphore_mem>>) attributes {dimension_semantics = [#tpu.dimension_semantics<arbitrary>], iteration_bounds = array<i64: 16>, scalar_prefetch = 0 : i64, scratch_operands = 1 : i64, tpu.core_type = #tpu.core_type<tc>, window_params = [{transform_indices = @transform_0, window_bounds = array<i64: 4, 512, 1024>}, {pipeline_mode = #tpu.pipeline_mode<synchronous>, transform_indices = @transform_1, window_bounds = array<i64: 4, 1024>}, {}]} {
    %mul3A = arith.constant 512 : i32
    %mul3A_0 = arith.muli %arg0, %mul3A : i32
    %add3A = arith.constant 128 : i32
    %add3A_1 = arith.addi %add3A, %mul3A_0 : i32
    %dma_start3A = arith.constant 0 : i32
    %dma_start3A_2 = arith.constant 0 : i32
    %dma_start3A_3 = tpu.memref_slice %arg3[%dma_start3A, %add3A_1, %dma_start3A_2] : memref<4x8320x1024xf32, #tpu.memory_space<any>> -> memref<4x512x1024xf32, #tpu.memory_space<any>>
    tpu.enqueue_dma source(%arg1 : memref<4x512x1024xf32, #tpu.memory_space<vmem>>) target(%dma_start3A_3 : memref<4x512x1024xf32, #tpu.memory_space<any>>) target_semaphore(%arg4 : memref<!tpu.dma_semaphore, #tpu.memory_space<semaphore_mem>>)
    %eq3A = arith.constant 0 : i32
    %eq3A_4 = arith.cmpi eq, %arg0, %eq3A : i32
    %convert_element_type3A = arith.extui %eq3A_4 : i1 to i32
    %cond3A = arith.constant 0 : i32
    %cond3A_5 = arith.cmpi ne, %convert_element_type3A, %cond3A : i32
    scf.if %cond3A_5 {
      %broadcast_in_dim3A = arith.constant 0.000000e+00 : f32
      %broadcast_in_dim3A_18 = vector.broadcast %broadcast_in_dim3A : f32 to vector<4x1024xf32>
      %swap3A_19 = arith.constant 0 : index
      %swap3A_20 = arith.constant 0 : index
      %swap3A_21 = vector.load %arg2[%swap3A_19, %swap3A_20] : memref<4x1024xf32, #tpu.memory_space<vmem>>, vector<4x1024xf32>
      tpu.vector_store %arg2[%swap3A_19, %swap3A_20], %broadcast_in_dim3A_18 {strides = array<i32>} : memref<4x1024xf32, #tpu.memory_space<vmem>>, vector<4x1024xf32>,
    } else {
    }
    %get3A = arith.constant 0 : index
    %get3A_6 = arith.constant 0 : index
    %get3A_7 = vector.load %arg2[%get3A, %get3A_6] : memref<4x1024xf32, #tpu.memory_space<vmem>>, vector<4x1024xf32>
    %get3A_8 = arith.constant 0 : index
    %get3A_9 = arith.constant 0 : index
    %get3A_10 = arith.constant 0 : index
    %get3A_11 = vector.load %arg1[%get3A_8, %get3A_9, %get3A_10] : memref<4x512x1024xf32, #tpu.memory_space<vmem>>, vector<4x512x1024xf32>
    %reduce_sum3A = arith.constant dense<0.000000e+00> : vector<4x1024xf32>
    %reduce_sum3A_12 = vector.multi_reduction <add>, %get3A_11, %reduce_sum3A [1] : vector<4x512x1024xf32> to vector<4x1024xf32>
    %add3A_13 = arith.addf %get3A_7, %reduce_sum3A_12 : vector<4x1024xf32>
    %swap3A = arith.constant 0 : index
    %swap3A_14 = arith.constant 0 : index
    %swap3A_15 = vector.load %arg2[%swap3A, %swap3A_14] : memref<4x1024xf32, #tpu.memory_space<vmem>>, vector<4x1024xf32>
    tpu.vector_store %arg2[%swap3A, %swap3A_14], %add3A_13 {strides = array<i32>} : memref<4x1024xf32, #tpu.memory_space<vmem>>, vector<4x1024xf32>,
    %dma_wait3A = arith.constant 0 : i32
    %dma_wait3A_16 = arith.constant 0 : i32
    %dma_wait3A_17 = tpu.memref_slice %arg3[%dma_wait3A, %add3A_1, %dma_wait3A_16] : memref<4x8320x1024xf32, #tpu.memory_space<any>> -> memref<4x512x1024xf32, #tpu.memory_space<any>>
    tpu.wait_dma2 semaphore(%arg4 : memref<!tpu.dma_semaphore, #tpu.memory_space<semaphore_mem>>) src(%arg1 : memref<4x512x1024xf32, #tpu.memory_space<vmem>>) dst(%dma_wait3A_17 : memref<4x512x1024xf32, #tpu.memory_space<any>>)
    return
  }
  func.func @transform_0(%arg0: i32) -> (i32, i32, i32) {
    %c0_i32 = arith.constant 0 : i32
    %c0_i32_0 = arith.constant 0 : i32
    %c0_i32_1 = arith.constant 0 : i32
    return %c0_i32, %arg0, %c0_i32_0 : i32, i32, i32
  }
  func.func @transform_1(%arg0: i32) -> (i32, i32) {
    %c0_i32 = arith.constant 0 : i32
    %c0_i32_0 = arith.constant 0 : i32
    %c0_i32_1 = arith.constant 0 : i32
    return %c0_i32, %c0_i32_0 : i32, i32
  }
}

module attributes {stable_mosaic.version = 14 : i64} {
  func.func @_stitch_body(%arg0: i32, %arg1: memref<1x128x1024xf32, #tpu.memory_space<vmem>>, %arg2: memref<1x16x1024xf32, #tpu.memory_space<vmem>>, %arg3: memref<1x128x1024xf32, #tpu.memory_space<vmem>>) attributes {dimension_semantics = [#tpu.dimension_semantics<arbitrary>], iteration_bounds = array<i64: 4>, scalar_prefetch = 0 : i64, scratch_operands = 0 : i64, tpu.core_type = #tpu.core_type<tc>, window_params = [{transform_indices = @transform_0, window_bounds = array<i64: 1, 128, 1024>}, {transform_indices = @transform_1, window_bounds = array<i64: 1, 16, 1024>}, {transform_indices = @transform_2, window_bounds = array<i64: 1, 128, 1024>}]} {
    %get3A = arith.constant 0 : index
    %get3A_0 = arith.constant 0 : index
    %get3A_1 = arith.constant 0 : index
    %get3A_2 = vector.load %arg1[%get3A, %get3A_0, %get3A_1] : memref<1x128x1024xf32, #tpu.memory_space<vmem>>, vector<1x128x1024xf32>
    %swap3A = arith.constant 0 : index
    %swap3A_3 = arith.constant 0 : index
    %swap3A_4 = arith.constant 0 : index
    %swap3A_5 = vector.load %arg3[%swap3A, %swap3A_3, %swap3A_4] : memref<1x128x1024xf32, #tpu.memory_space<vmem>>, vector<1x128x1024xf32>
    tpu.vector_store %arg3[%swap3A, %swap3A_3, %swap3A_4], %get3A_2 {strides = array<i32>} : memref<1x128x1024xf32, #tpu.memory_space<vmem>>, vector<1x128x1024xf32>,
    return
  }
  func.func @transform_0(%arg0: i32) -> (i32, i32, i32) {
    %c0_i32 = arith.constant 0 : i32
    %c0_i32_0 = arith.constant 0 : i32
    %c0_i32_1 = arith.constant 0 : i32
    return %arg0, %c0_i32, %c0_i32_0 : i32, i32, i32
  }
  func.func @transform_1(%arg0: i32) -> (i32, i32, i32) {
    %c0_i32 = arith.constant 0 : i32
    %c0_i32_0 = arith.constant 0 : i32
    %c0_i32_1 = arith.constant 0 : i32
    return %arg0, %c0_i32, %c0_i32_0 : i32, i32, i32
  }
  func.func @transform_2(%arg0: i32) -> (i32, i32, i32) {
    %c0_i32 = arith.constant 0 : i32
    %c0_i32_0 = arith.constant 0 : i32
    %c0_i32_1 = arith.constant 0 : i32
    return %arg0, %c0_i32, %c0_i32_0 : i32, i32, i32
  }
}

</mosaic_0001>

<sc_bundles>
// kernel: kernel.10.cloned.1.call-start
scs
__scs_entry_jumppad:
0x0: {  	(pc) =	sbr.rel $0x88, $3  }
0x1: {  	(tag) =	ssettag $0x0;
	lr =	simm.s32 $0x1  }
0x2: {  	[smem:$0x3F9F] =	sst lr;
	_ =	strace $0xD0000000  }
0x3: {  	_ = 	snop  }
0x4: {  	_ = 	snop  }
0x5: {  	_ = 	snop  }
0x6: {  	_ = 	snop  }
0x7: {  	_ = 	snop  }
__scs_overlays_trampoline_lowered:
0x8: {  	[smem:$0x3FAE] =	sst s0  }
0x9: {  	[smem:$0x3FAF] =	sst s1  }
0xa: {  	[smem:$0x3FB0] =	sst s2  }
0xb: {  	[smem:$0x3FB1] =	sst s3  }
0xc: {  	[smem:$0x3FB2] =	sst s4  }
0xd: {  	[smem:$0x3FB3] =	sst s5  }
0xe: {  	[smem:$0x3FB4] =	sst s6  }
0xf: {  	[smem:$0x3FB5] =	sst s7  }
0x10: {  	[smem:$0x3FB6] =	sst s8  }
0x11: {  	[smem:$0x3FB7] =	sst s9;
	s0 =	simm.s32 @!p0 $0x0  }
0x12: {  	s1 =	sld [smem:$0x3F9D];
	s0 =	simm.s32 @p0 $0x1  }
0x13: {  	[smem:$0x3FB8] =	sst s0;
	s0 =	simm.s32 @!p1 $0x0  }
0x14: {  	s2 =	sld [smem:$0x3F9C];
	s0 =	simm.s32 @p1 $0x1  }
0x15: {  	[smem:$0x3FB9] =	sst s0;
	s0 =	simm.s32 @!p2 $0x0  }
0x16: {  	s3 =	sld [smem:$0x3FDB];
	s0 =	simm.s32 @p2 $0x1  }
0x17: {  	s4 =	simm.s32 $0x1BF5;
	[smem:$0x3FBB] =	sst s0  }
0x18: {  	s0 =	sld [smem:$0x3F9E];
	_ =	swait.ge [sflag:s4], $0x0  }
0x19: {  	s7 =	sld [smem:$0x3F9F]  }
0x1a: {  	s8 =	sadd.s32 $0xFFFFE003, lr  }
0x1b: {  	s9 =	sadd.s32 $0xFFFFFEF7, lr;
	s5 =	simm.s32 $0xFFFFFFFF;
	p2 =	slt.u32 s8, $0xFFFFF086  }
0x1c: {  	p1 =	slt.u32 s9, $0xF7A;
	s5 =	simm.s32 @!p2 $0x0  }
0x1d: {  	s5 =	simm.s32 @p1 $0x1;
	p0 =	seq.s32 s7, s2  }
0x1e: {  	s7 =	smul.u32 @!p0 $0xF7A, s2;
	p2 =	seq.s32 @!p0 s5, $0x0  }
0x1f: {  	s9 =	smul.u32 $0xF7A, s1;
	s8 =	simm.s32 @!p0 $0x1BF5;
	p2 =	por !p2, p0  }
0x20: {  	[sflag:s8] =	ssyncset.s32 @!p0 $0xFFFFF086;
	s6 =	sadd.s32 @!p0 s3, s7;
	s7 =	simm.s32 @!p0 $0x108  }
0x21: {  	s3 =	sadd.s32 s3, s9;
	s6 =	sadd.s32 @!p0 $0x88, s6;
	s7 =	simm.s32 @p2 $0x1082  }
0x22: {  	[simem:s7], [sflag:s8] =	dma.local @!p0 [hbm:s6], $0xF7A  }
0x23: {  	s9 =	sor.u32 $0xD0000000, s2;
	s6 =	simm.s32 $0x108;
	_ =	swait.ge @!p0 [sflag:s8], $0x0  }
0x24: {  	s3 =	sadd.s32 $0x88, s3;
	s6 =	simm.s32 @!p1 $0x1082;
	[sflag:s4] =	ssyncset.s32 $0xFFFFF086  }
0x25: {  	[simem:s6], [sflag:s4] =	dma.local [hbm:s3], $0xF7A  }
0x26: {  	[smem:$0x3F9F] =	sst s1;
	(tag) =	ssettag s2;
	_ =	strace s9  }
0x27: {  	s1 =	sld [smem:$0x3FAF]  }
0x28: {  	s2 =	sld [smem:$0x3FB0]  }
0x29: {  	s4 =	sld [smem:$0x3FB2]  }
0x2a: {  	p0 =	seq.s32 s5, $0x0;
	s5 =	sld [smem:$0x3FB3]  }
0x2b: {  	s6 =	sld [smem:$0x3FB4]  }
0x2c: {  	s7 =	sld [smem:$0x3FB5]  }
0x2d: {  	s3 =	simm.s32 $0x108;
	s8 =	sld [smem:$0x3FB6]  }
0x2e: {  	s3 =	simm.s32 @!p0 $0x1082;
	s9 =	sld [smem:$0x3FB7]  }
0x2f: {  	lr =	sadd.s32 s0, s3;
	s0 =	sld [smem:$0x3FAE]  }
0x30: {  	s3 =	sld [smem:$0x3FB1]  }
0x31: {  	[smem:$0x3FBA] =	sst s10  }
0x32: {  	s10 =	sld [smem:$0x3FB8];
	_ =	sdelay $0x3  }
0x33: {  	p0 =	seq.s32 s10, $0x1;
	s10 =	sld [smem:$0x3FBA];
	_ =	sdelay $0x3  }
0x34: {  	[smem:$0x3FBA] =	sst s10  }
0x35: {  	s10 =	sld [smem:$0x3FB9];
	_ =	sdelay $0x3  }
0x36: {  	p1 =	seq.s32 s10, $0x1;
	s10 =	sld [smem:$0x3FBA];
	_ =	sdelay $0x3  }
0x37: {  	[smem:$0x3FBA] =	sst s10  }
0x38: {  	s10 =	sld [smem:$0x3FBB]  }
0x39: {  	_ = 	snop;
	(pc) =	sbr.ind lr, $3  }
0x3a: {  	_ = 	snop  }
0x3b: {  	_ = 	snop  }
0x3c: {  	p2 =	seq.s32 s10, $0x1;
	s10 =	sld [smem:$0x3FBA]  }
0x3d: {  	_ =	shalt  }
0x3e: {  	_ =	shalt  }
0x3f: {  	_ =	shalt  }
0x40: {  	_ =	shalt  }
0x41: {  	_ =	shalt  }
0x42: {  	_ =	shalt  }
0x43: {  	_ =	shalt  }
0x44: {  	_ =	shalt  }
0x45: {  	_ =	shalt  }
0x46: {  	_ =	shalt  }
0x47: {  	_ =	shalt  }
0x48: {  	_ =	shalt  }
0x49: {  	_ =	shalt  }
0x4a: {  	_ =	shalt  }
0x4b: {  	_ =	shalt  }
0x4c: {  	_ =	shalt  }
0x4d: {  	_ =	shalt  }
0x4e: {  	_ =	shalt  }
0x4f: {  	_ =	shalt  }
0x50: {  	_ =	shalt  }
0x51: {  	_ =	shalt  }
0x52: {  	_ =	shalt  }
0x53: {  	_ =	shalt  }
0x54: {  	_ =	shalt  }
0x55: {  	_ =	shalt  }
0x56: {  	_ =	shalt  }
0x57: {  	_ =	shalt  }
0x58: {  	_ =	shalt  }
0x59: {  	_ =	shalt  }
0x5a: {  	_ =	shalt  }
0x5b: {  	_ =	shalt  }
0x5c: {  	_ =	shalt  }
0x5d: {  	_ =	shalt  }
0x5e: {  	_ =	shalt  }
0x5f: {  	_ =	shalt  }
0x60: {  	_ =	shalt  }
0x61: {  	_ =	shalt  }
0x62: {  	_ =	shalt  }
0x63: {  	_ =	shalt  }
0x64: {  	_ =	shalt  }
0x65: {  	_ =	shalt  }
0x66: {  	_ =	shalt  }
0x67: {  	_ =	shalt  }
0x68: {  	_ =	shalt  }
0x69: {  	_ =	shalt  }
0x6a: {  	_ =	shalt  }
0x6b: {  	_ =	shalt  }
0x6c: {  	_ =	shalt  }
0x6d: {  	_ =	shalt  }
0x6e: {  	_ =	shalt  }
0x6f: {  	_ =	shalt  }
0x70: {  	_ =	shalt  }
0x71: {  	_ =	shalt  }
0x72: {  	_ =	shalt  }
0x73: {  	_ =	shalt  }
0x74: {  	_ =	shalt  }
0x75: {  	_ =	shalt  }
0x76: {  	_ =	shalt  }
0x77: {  	_ =	shalt  }
0x78: {  	_ =	shalt  }
0x79: {  	_ =	shalt  }
0x7a: {  	_ =	shalt  }
0x7b: {  	_ =	shalt  }
0x7c: {  	_ =	shalt  }
0x7d: {  	_ =	shalt  }
0x7e: {  	_ =	shalt  }
0x7f: {  	_ =	shalt  }
0x80: {  	_ =	shalt  }
0x81: {  	_ =	shalt  }
0x82: {  	_ =	shalt  }
0x83: {  	_ =	shalt  }
0x84: {  	_ =	shalt  }
0x85: {  	_ =	shalt  }
0x86: {  	_ =	shalt  }
0x87: {  	_ =	shalt  }
.Lfunc_end0:
.L_simem_size_0:
called_computation.1_lowered:
.L_overlay_start_0:
0x88: {  	s2 =	sld [smem:$0x3FD9]  }
0x89: {  	s3 =	sld [smem:$0x3FFE];
	_ =	sdelay $0x1  }
0x8a: {  	s1 =	srdreg.scid  }
0x8b: {  	s0 =	sand.u32 $0x1, s1  }
0x8c: {  	s17 =	sshll.u32 s0, $0xA;
	s2 =	sadd.s32 s3, s2  }
0x8d: {  	s2 =	sadd.s32 s2, s17  }
0x8e: {  	[smem:$0x3FC6] =	sst s2  }
0x8f: {  	_ = 	snop  }
0x90: {  	s2 =	sld [smem:$0x3FC8];
	(tm) =	ssettm $0x1  }
0x91: {  	s18 =	sld [smem:$0x3FFB];
	_ =	sdelay $0x3  }
0x92: {  	_ =	strace s18  }
0x93: {  	s3 =	sld [smem:$0x3FFC];
	_ =	sdelay $0x3  }
0x94: {  	_ =	strace s3  }
0x95: {  	s3 =	sld [smem:$0x3FFD];
	_ =	sdelay $0x3  }
0x96: {  	_ =	strace s3  }
0x97: {  	_ =	strace $0x8FFFFFFF  }
0x98: {  	s19 =	sld [smem:$0x3FDB];
	_ =	sdelay $0x1  }
0x99: {  	s4 =	simm.s32 $_scs_section_size  }
0x9a: {  	s5 =	simm.s32 $_size__tile_overlayer_lowered;
	s6 =	simm.s32 $_tile_overlayer_lowered  }
0x9b: {  	s22 =	simm.s32 $0x1BFF;
	s21 =	sshll.u32 s6, $0x1;
	s3 =	sadd.s32 s4, s19  }
0x9c: {  	s7 =	simm.s32 $0x0;
	s20 =	sshll.u32 s5, $0x1;
	s5 =	sadd.s32 s21, s3  }
0x9d: {  	[timem:s7], [sflag:s22] =	dma.local [hbm:s5], s20  }
0x9e: {  	_ =	swait.ge [sflag:s22], s20  }
0x9f: {  	s4 =	ssub.s32 $0x0, s20;
	[sflag:s22] =	ssyncset.done $0x0  }
0xa0: {  	[sflag:s22] =	ssyncadd.s32 s4;
	_ =	sdelay $0x1  }
0xa1: {  	s23 =	simm.s32 $0x1B8B  }
0xa2: {  	_ =	swait.ge [sflag:s23], $0x1  }
0xa3: {  	[sflag:s23] =	ssyncset.done $0x0  }
0xa4: {  	s25 =	simm.s32 $0x1B8E;
	s24 =	sld [smem:$0x3FFE];
	[sflag:s23] =	ssyncadd.s32 $0xFFFFFFFF  }
0xa5: {  	s26 =	simm.s32 $execute0_lowered;
	[smem:$0x3FD2] =	sst s25  }
0xa6: {  	s5 =	sshll.u32 s26, $0x1;
	_ =	strace $0x80000049;
	[dreg:$0x1] =	wrdreg $0xFFFFFFFF  }
0xa7: {  	s28 =	simm.s32 $_size_execute0_lowered;
	s3 =	sadd.s32 s3, s5;
	[dreg:$0x0] =	wrdreg $0x0  }
0xa8: {  	s5 =	sshll.u32 s28, $0x1;
	[dreg:$0x2] =	wrdreg s3  }
0xa9: {  	[dreg:$0x3] =	wrdreg s5  }
0xaa: {  	[dreg:$0x4] =	wrdreg $0xC0  }
0xab: {  	_ =	task [dreg:s7], $0x5FFFF  }
0xac: {  	[dreg:$0x1] =	wrdreg $0xFFFFFFFF  }
0xad: {  	[dreg:$0x0] =	wrdreg $0x60  }
0xae: {  	[dreg:$0x2] =	wrdreg s24  }
0xaf: {  	[dreg:$0x3] =	wrdreg s2  }
0xb0: {  	[dreg:$0x4] =	wrdreg $0x9  }
0xb1: {  	_ =	task.clear_ibuf [dreg:s7], $0x5FFFF;
	_ =	strace $0x90000049  }
0xb2: {  	s29 =	simm.s32 $0x9;
	_ =	strace $0x8000004B  }
0xb3: {  	_ =	swait.ge [sflag:s29], $0x1  }
0xb4: {  	[sflag:s29] =	ssyncadd.s32 $0xFFFFFFFF  }
0xb5: {  	_ =	strace $0x9000004B  }
0xb6: {  	_ =	sfence  }
0xb7: {  	s30 =	sld [smem:$0x0];
	_ =	sdelay $0x2  }
0xb8: {  	s31 =	sshll.u32 s1, $0xD;
	s1 =	sshrl.u32 s1, $0x2  }
0xb9: {  	s3 =	sand.u32 $0x4000, s31;
	s1 =	sadd.s32 s1, s30  }
0xba: {  	s0 =	sor.u32 s3, s0;
	s1 =	sshll.u32 s1, $0x11  }
0xbb: {  	s0 =	sor.u32 s1, s0  }
0xbc: {  	s0 =	sadd.s32 $0x8F2B, s0  }
0xbd: {  	[sflag:s0] =	ssyncadd.remote.s32 $0x1  }
0xbe: {  	_ =	sfence.sel $0xFFFF  }
0xbf: {  	[dreg:$0x0] =	wrdreg $0xFFFFFFFF;
	(pc) =	sbr.abs _section_cstart, $3  }
0xc0: {  	[dreg:$0x1] =	wrdreg $0xFFFFFFFF  }
0xc1: {  	_ =	task.clear_ibuf [dreg:s7], $0x2FFFF;
	_ =	strace $0x9FFFFFFF  }
0xc2: {  	(tm) =	ssettm $0x7FFFFFFF  }
0xc3: {  	_ =	shalt  }
tec
execute0_lowered:
.L_overlay_start_1:
0x0: {  	(tag) =	ssettag $0x1  }
0x1: {  	s1 =	srdreg.scid  }
0x2: {  	s0 =	stileid.u32;
	s16 =	sand.u32 $0x1, s1  }
0x3: {  	s17 =	rddreg [dreg:$0x0];
	s30 =	sshll.u32 s0, $0x5;
	s3 =	sshll.u32 s16, $0x4  }
0x4: {  	s2 =	rddreg [dreg:$0x1];
	s18 =	sor.u32 s3, s30  }
0x5: {  	s1 =	rddreg [dreg:$0x2];
	s3 =	simm.s32 $0x0;
	s4 =	sshrl.u32 s18, $0x3  }
0x6: {  	[smem:$0x7FF] =	sst s3;
	s4 =	sadd.s32 s4, s17  }
0x7: {  	_ =	strace $0x8000004A;
	s5 =	sadd.s32 $0x1200, s4;
	s4 =	simm.s32 $0x1  }
0x8: {  	[tilespmem:s3], [sflag:$0x1] =	stream.linear.gather [hbm4b:s5+s3], $0x10, $0x38;
	[tilespmem:$0x4080] =	vst v63  }
0x9: {  	_ =	swait.ge [sflag:s4], $0x10  }
0xa: {  	[sflag:s4] =	ssyncset.done $0x0  }
0xb: {  	[sflag:s4] =	ssyncadd.s32 $0xFFFFFFF0  }
0xc: {  	v0 =	vld [tilespmem:$0x0];
	_ =	sdelay $0x4  }
0xd: {  	v1 =	vshll.u32 v0, $0x3  }
0xe: {  	v2 =	vlaneseq.u32;
	v3 =	vand.u32 $0x7, v0;
	v1 =	vand.u32 $0xFFFFFFC0, v1  }
0xf: {  	v4 =	vshrl.u32 v2, $0x3;
	v0 =	vand.u32 $0x7, v2;
	v3 =	vor.u32 v3, v1  }
0x10: {  	v1 =	vmul.u32 $0x8, v4;
	v63 =	vperm.xlane v3, v0;
	_ =	sdelay $0x1  }
0x11: {  	v4 =	vadd.s32 v1, v63;
	_ =	sdelay $0x3  }
0x12: {  	vm0 =	vmmov $0xffff;
	s6 =	simm.s32 $0x80  }
0x13: {  	v2 =	vor.u32 $0x8, v2;
	[tilespmem:s6], [sflag:$0x1] =	stream.indirect_vreg.gather [hbm4b:s2+s3], $0x80, v4, vm0, $0xb8;
	[tilespmem:$0x4080] =	vst v63  }
0x14: {  	s8 =	simm.s32 $0x880;
	s7 =	sadd.s32 $0x100, s2;
	v3 =	vperm.xlane v3, v2  }
0x15: {  	[tilespmem:s8], [sflag:$0x1] =	stream.indirect_vreg.gather [hbm4b:s7+s3], $0x80, v4, vm0, $0xb8;
	[tilespmem:$0x4080] =	vst v63  }
0x16: {  	s10 =	simm.s32 $0x1080;
	s9 =	sadd.s32 $0x200, s2;
	v3 =	vadd.s32 v1, v3  }
0x17: {  	[tilespmem:s10], [sflag:$0x1] =	stream.indirect_vreg.gather [hbm4b:s9+s3], $0x80, v4, vm0, $0xb8;
	[tilespmem:$0x4080] =	vst v63  }
0x18: {  	s12 =	simm.s32 $0x1880;
	s11 =	sadd.s32 $0x300, s2  }
0x19: {  	[tilespmem:s12], [sflag:$0x1] =	stream.indirect_vreg.gather [hbm4b:s11+s3], $0x80, v4, vm0, $0xb8;
	[tilespmem:$0x4080] =	vst v63  }
0x1a: {  	s13 =	simm.s32 $0x2080;
	s19 =	ssub.s32 $0x2, s16  }
0x1b: {  	[tilespmem:s13], [sflag:$0x1] =	stream.indirect_vreg.gather [hbm4b:s2+s3], $0x80, v3, vm0, $0xb8;
	[tilespmem:$0x4080] =	vst v63  }
0x1c: {  	s14 =	simm.s32 $0x2880;
	s20 =	sshrl.u32 s19, $0x1  }
0x1d: {  	[tilespmem:s14], [sflag:$0x1] =	stream.indirect_vreg.gather [hbm4b:s7+s3], $0x80, v3, vm0, $0xb8;
	[tilespmem:$0x4080] =	vst v63  }
0x1e: {  	s15 =	simm.s32 $0x3080;
	s18 =	sshll.u32 s18, $0x7;
	s31 =	ssub.s32 s19, s20  }
0x1f: {  	[tilespmem:s15], [sflag:$0x1] =	stream.indirect_vreg.gather [hbm4b:s9+s3], $0x80, v3, vm0, $0xb8;
	[tilespmem:$0x4080] =	vst v63  }
0x20: {  	s16 =	simm.s32 $0x3880;
	s17 =	sadd.s32 s18, s17;
	s18 =	smax.u32 s31, $0x1  }
0x21: {  	[tilespmem:s16], [sflag:$0x1] =	stream.indirect_vreg.gather [hbm4b:s11+s3], $0x80, v3, vm0, $0xb8;
	[tilespmem:$0x4080] =	vst v63  }
0x22: {  	p0 =	sne.s32 s18, $0x1;
	_ =	swait.ge [sflag:s4], $0x4000  }
.Ltmp0:
0x23: {  	[sflag:s4] =	ssyncset.done $0x0;
	(pc) =	sbr.rel @!p0 .LBB2_2-.Ltmp0, $4  }
0x24: {  	s17 =	sadd.s32 $0x1400, s17;
	[sflag:s4] =	ssyncadd.s32 $0xFFFFC000  }
0x25: {  	[hbm4b:s17+s3] =	stream.linear.scatter [tilespmem:s6], [sflag:$0x1], $0x4000, $0x38;
	[tilespmem:$0x4080] =	vst v63  }
0x26: {  	_ =	swait.ge [sflag:s4], $0x4000  }
0x27: {  	s18 =	sadd.s32 $0xFFFFFFFF, s18;
	[sflag:s4] =	ssyncset.done $0x0  }
.LBB2_1:
0x28: {  	p0 =	sne.s32 s18, $0x1;
	s18 =	sadd.s32 $0xFFFFFFFF, s18;
	[sflag:s4] =	ssyncadd.s32 $0xFFFFC000  }
0x29: {  	[tilespmem:s3], [sflag:$0x1] =	stream.linear.gather [hbm4b:s5+s3], $0x10, $0x38;
	[tilespmem:$0x4080] =	vst v63  }
0x2a: {  	_ =	swait.ge [sflag:s4], $0x10  }
0x2b: {  	[sflag:s4] =	ssyncset.done $0x0  }
0x2c: {  	[sflag:s4] =	ssyncadd.s32 $0xFFFFFFF0  }
0x2d: {  	v3 =	vld [tilespmem:$0x0];
	_ =	sdelay $0x4  }
0x2e: {  	v4 =	vshll.u32 v3, $0x3  }
0x2f: {  	v3 =	vand.u32 $0x7, v3;
	v4 =	vand.u32 $0xFFFFFFC0, v4  }
0x30: {  	v3 =	vor.u32 v3, v4  }
0x31: {  	v4 =	vperm.xlane v3, v0;
	v3 =	vperm.xlane v3, v2;
	_ =	sdelay $0x1  }
0x32: {  	v4 =	vadd.s32 v1, v4;
	_ =	sdelay $0x4  }
0x33: {  	[tilespmem:s6], [sflag:$0x1] =	stream.indirect_vreg.gather [hbm4b:s2+s3], $0x80, v4, vm0, $0xb8;
	[tilespmem:$0x4080] =	vst v63  }
0x34: {  	_ = 	snop  }
0x35: {  	[tilespmem:s8], [sflag:$0x1] =	stream.indirect_vreg.gather [hbm4b:s7+s3], $0x80, v4, vm0, $0xb8;
	[tilespmem:$0x4080] =	vst v63  }
0x36: {  	v3 =	vadd.s32 v1, v3  }
0x37: {  	[tilespmem:s10], [sflag:$0x1] =	stream.indirect_vreg.gather [hbm4b:s9+s3], $0x80, v4, vm0, $0xb8;
	[tilespmem:$0x4080] =	vst v63  }
0x38: {  	_ = 	snop  }
0x39: {  	[tilespmem:s12], [sflag:$0x1] =	stream.indirect_vreg.gather [hbm4b:s11+s3], $0x80, v4, vm0, $0xb8;
	[tilespmem:$0x4080] =	vst v63  }
0x3a: {  	_ = 	snop  }
0x3b: {  	[tilespmem:s13], [sflag:$0x1] =	stream.indirect_vreg.gather [hbm4b:s2+s3], $0x80, v3, vm0, $0xb8;
	[tilespmem:$0x4080] =	vst v63  }
0x3c: {  	_ = 	snop  }
0x3d: {  	[tilespmem:s14], [sflag:$0x1] =	stream.indirect_vreg.gather [hbm4b:s7+s3], $0x80, v3, vm0, $0xb8;
	[tilespmem:$0x4080] =	vst v63  }
0x3e: {  	_ = 	snop  }
0x3f: {  	[tilespmem:s15], [sflag:$0x1] =	stream.indirect_vreg.gather [hbm4b:s9+s3], $0x80, v3, vm0, $0xb8;
	[tilespmem:$0x4080] =	vst v63  }
0x40: {  	_ = 	snop  }
0x41: {  	[tilespmem:s16], [sflag:$0x1] =	stream.indirect_vreg.gather [hbm4b:s11+s3], $0x80, v3, vm0, $0xb8;
	[tilespmem:$0x4080] =	vst v63  }
0x42: {  	_ =	swait.ge [sflag:s4], $0x4000  }
.Ltmp1:
0x43: {  	[sflag:s4] =	ssyncset.done $0x0;
	(pc) =	sbr.rel @p0 .LBB2_1-.Ltmp1, $4  }
0x44: {  	[sflag:s4] =	ssyncadd.s32 $0xFFFFC000  }
0x45: {  	[hbm4b:s17+s3] =	stream.linear.scatter [tilespmem:s6], [sflag:$0x1], $0x4000, $0x38;
	[tilespmem:$0x4080] =	vst v63  }
0x46: {  	_ =	swait.ge [sflag:s4], $0x4000  }
0x47: {  	[sflag:s4] =	ssyncset.done $0x0  }
.LBB2_2:
0x48: {  	[sflag:s4] =	ssyncadd.s32 $0xFFFFC000  }
0x49: {  	_ =	sfence.sel $0x180000  }
0x4a: {  	[bflag:$0x0] =	sbarrier.arrive $0xFFFF  }
0x4b: {  	p0 =	sne.s32 s0, $0x0;
	_ =	strace $0x9000004A  }
0x4c: {  	s0 =	sadd.s32 @!p0 $0x100000, s1;
	[bflag:$0x2] =	sbarrier.arrive $0xFFFF  }
0x4d: {  	[sflag:s0] =	ssyncadd.tile.s32 @!p0 $0x1;
	_ =	shalt  }
.Lfunc_end2:
_tile_overlayer_lowered:
.L_overlay_start_2:
0x4e: {  	(tag) =	ssettag $0x2  }
0x4f: {  	s0 =	rddreg [dreg:$0x0];
	s2 =	stileid.u32  }
0x50: {  	s1 =	rddreg [dreg:$0x1];
	p0 =	sne.s32 s2, $0x0  }
0x51: {  	s3 =	rddreg [dreg:$0x2];
	[bflag:$0x3] =	sbarrier.arrive $0xFFFF;
	s2 =	simm.s32 @!p0 $0x1C02  }
0x52: {  	[timem:s3], [sflag:s2] =	dma.local @!p0 [hbm:s0], s1  }
0x53: {  	s0 =	simm.s32 @!p0 $0x2  }
0x54: {  	_ =	swait.ge @!p0 [sflag:s0], s1  }
0x55: {  	s1 =	ssub.s32 @!p0 $0x0, s1;
	[sflag:s0] =	ssyncset.done @!p0 $0x0  }
0x56: {  	[sflag:s0] =	ssyncadd.s32 @!p0 s1  }
0x57: {  	[bflag:$0x3] =	sbarrier.arrive $0xFFFF  }
0x58: {  	_ =	shalt  }

// kernel: kernel.7.cloned.1.call-start
scs
__scs_entry_jumppad:
0x0: {  	(pc) =	sbr.rel $0x88, $3  }
0x1: {  	(tag) =	ssettag $0x0;
	lr =	simm.s32 $0x1  }
0x2: {  	[smem:$0x3F9F] =	sst lr;
	_ =	strace $0xD0000000  }
0x3: {  	_ = 	snop  }
0x4: {  	_ = 	snop  }
0x5: {  	_ = 	snop  }
0x6: {  	_ = 	snop  }
0x7: {  	_ = 	snop  }
__scs_overlays_trampoline_lowered:
0x8: {  	[smem:$0x3FAE] =	sst s0  }
0x9: {  	[smem:$0x3FAF] =	sst s1  }
0xa: {  	[smem:$0x3FB0] =	sst s2  }
0xb: {  	[smem:$0x3FB1] =	sst s3  }
0xc: {  	[smem:$0x3FB2] =	sst s4  }
0xd: {  	[smem:$0x3FB3] =	sst s5  }
0xe: {  	[smem:$0x3FB4] =	sst s6  }
0xf: {  	[smem:$0x3FB5] =	sst s7  }
0x10: {  	[smem:$0x3FB6] =	sst s8  }
0x11: {  	[smem:$0x3FB7] =	sst s9;
	s0 =	simm.s32 @!p0 $0x0  }
0x12: {  	s1 =	sld [smem:$0x3F9D];
	s0 =	simm.s32 @p0 $0x1  }
0x13: {  	[smem:$0x3FB8] =	sst s0;
	s0 =	simm.s32 @!p1 $0x0  }
0x14: {  	s2 =	sld [smem:$0x3F9C];
	s0 =	simm.s32 @p1 $0x1  }
0x15: {  	[smem:$0x3FB9] =	sst s0;
	s0 =	simm.s32 @!p2 $0x0  }
0x16: {  	s3 =	sld [smem:$0x3FDB];
	s0 =	simm.s32 @p2 $0x1  }
0x17: {  	s4 =	simm.s32 $0x1BF5;
	[smem:$0x3FBB] =	sst s0  }
0x18: {  	s0 =	sld [smem:$0x3F9E];
	_ =	swait.ge [sflag:s4], $0x0  }
0x19: {  	s7 =	sld [smem:$0x3F9F]  }
0x1a: {  	s8 =	sadd.s32 $0xFFFFE003, lr  }
0x1b: {  	s9 =	sadd.s32 $0xFFFFFEF7, lr;
	s5 =	simm.s32 $0xFFFFFFFF;
	p2 =	slt.u32 s8, $0xFFFFF086  }
0x1c: {  	p1 =	slt.u32 s9, $0xF7A;
	s5 =	simm.s32 @!p2 $0x0  }
0x1d: {  	s5 =	simm.s32 @p1 $0x1;
	p0 =	seq.s32 s7, s2  }
0x1e: {  	s7 =	smul.u32 @!p0 $0xF7A, s2;
	p2 =	seq.s32 @!p0 s5, $0x0  }
0x1f: {  	s9 =	smul.u32 $0xF7A, s1;
	s8 =	simm.s32 @!p0 $0x1BF5;
	p2 =	por !p2, p0  }
0x20: {  	[sflag:s8] =	ssyncset.s32 @!p0 $0xFFFFF086;
	s6 =	sadd.s32 @!p0 s3, s7;
	s7 =	simm.s32 @!p0 $0x108  }
0x21: {  	s3 =	sadd.s32 s3, s9;
	s6 =	sadd.s32 @!p0 $0x88, s6;
	s7 =	simm.s32 @p2 $0x1082  }
0x22: {  	[simem:s7], [sflag:s8] =	dma.local @!p0 [hbm:s6], $0xF7A  }
0x23: {  	s9 =	sor.u32 $0xD0000000, s2;
	s6 =	simm.s32 $0x108;
	_ =	swait.ge @!p0 [sflag:s8], $0x0  }
0x24: {  	s3 =	sadd.s32 $0x88, s3;
	s6 =	simm.s32 @!p1 $0x1082;
	[sflag:s4] =	ssyncset.s32 $0xFFFFF086  }
0x25: {  	[simem:s6], [sflag:s4] =	dma.local [hbm:s3], $0xF7A  }
0x26: {  	[smem:$0x3F9F] =	sst s1;
	(tag) =	ssettag s2;
	_ =	strace s9  }
0x27: {  	s1 =	sld [smem:$0x3FAF]  }
0x28: {  	s2 =	sld [smem:$0x3FB0]  }
0x29: {  	s4 =	sld [smem:$0x3FB2]  }
0x2a: {  	p0 =	seq.s32 s5, $0x0;
	s5 =	sld [smem:$0x3FB3]  }
0x2b: {  	s6 =	sld [smem:$0x3FB4]  }
0x2c: {  	s7 =	sld [smem:$0x3FB5]  }
0x2d: {  	s3 =	simm.s32 $0x108;
	s8 =	sld [smem:$0x3FB6]  }
0x2e: {  	s3 =	simm.s32 @!p0 $0x1082;
	s9 =	sld [smem:$0x3FB7]  }
0x2f: {  	lr =	sadd.s32 s0, s3;
	s0 =	sld [smem:$0x3FAE]  }
0x30: {  	s3 =	sld [smem:$0x3FB1]  }
0x31: {  	[smem:$0x3FBA] =	sst s10  }
0x32: {  	s10 =	sld [smem:$0x3FB8];
	_ =	sdelay $0x3  }
0x33: {  	p0 =	seq.s32 s10, $0x1;
	s10 =	sld [smem:$0x3FBA];
	_ =	sdelay $0x3  }
0x34: {  	[smem:$0x3FBA] =	sst s10  }
0x35: {  	s10 =	sld [smem:$0x3FB9];
	_ =	sdelay $0x3  }
0x36: {  	p1 =	seq.s32 s10, $0x1;
	s10 =	sld [smem:$0x3FBA];
	_ =	sdelay $0x3  }
0x37: {  	[smem:$0x3FBA] =	sst s10  }
0x38: {  	s10 =	sld [smem:$0x3FBB]  }
0x39: {  	_ = 	snop;
	(pc) =	sbr.ind lr, $3  }
0x3a: {  	_ = 	snop  }
0x3b: {  	_ = 	snop  }
0x3c: {  	p2 =	seq.s32 s10, $0x1;
	s10 =	sld [smem:$0x3FBA]  }
0x3d: {  	_ =	shalt  }
0x3e: {  	_ =	shalt  }
0x3f: {  	_ =	shalt  }
0x40: {  	_ =	shalt  }
0x41: {  	_ =	shalt  }
0x42: {  	_ =	shalt  }
0x43: {  	_ =	shalt  }
0x44: {  	_ =	shalt  }
0x45: {  	_ =	shalt  }
0x46: {  	_ =	shalt  }
0x47: {  	_ =	shalt  }
0x48: {  	_ =	shalt  }
0x49: {  	_ =	shalt  }
0x4a: {  	_ =	shalt  }
0x4b: {  	_ =	shalt  }
0x4c: {  	_ =	shalt  }
0x4d: {  	_ =	shalt  }
0x4e: {  	_ =	shalt  }
0x4f: {  	_ =	shalt  }
0x50: {  	_ =	shalt  }
0x51: {  	_ =	shalt  }
0x52: {  	_ =	shalt  }
0x53: {  	_ =	shalt  }
0x54: {  	_ =	shalt  }
0x55: {  	_ =	shalt  }
0x56: {  	_ =	shalt  }
0x57: {  	_ =	shalt  }
0x58: {  	_ =	shalt  }
0x59: {  	_ =	shalt  }
0x5a: {  	_ =	shalt  }
0x5b: {  	_ =	shalt  }
0x5c: {  	_ =	shalt  }
0x5d: {  	_ =	shalt  }
0x5e: {  	_ =	shalt  }
0x5f: {  	_ =	shalt  }
0x60: {  	_ =	shalt  }
0x61: {  	_ =	shalt  }
0x62: {  	_ =	shalt  }
0x63: {  	_ =	shalt  }
0x64: {  	_ =	shalt  }
0x65: {  	_ =	shalt  }
0x66: {  	_ =	shalt  }
0x67: {  	_ =	shalt  }
0x68: {  	_ =	shalt  }
0x69: {  	_ =	shalt  }
0x6a: {  	_ =	shalt  }
0x6b: {  	_ =	shalt  }
0x6c: {  	_ =	shalt  }
0x6d: {  	_ =	shalt  }
0x6e: {  	_ =	shalt  }
0x6f: {  	_ =	shalt  }
0x70: {  	_ =	shalt  }
0x71: {  	_ =	shalt  }
0x72: {  	_ =	shalt  }
0x73: {  	_ =	shalt  }
0x74: {  	_ =	shalt  }
0x75: {  	_ =	shalt  }
0x76: {  	_ =	shalt  }
0x77: {  	_ =	shalt  }
0x78: {  	_ =	shalt  }
0x79: {  	_ =	shalt  }
0x7a: {  	_ =	shalt  }
0x7b: {  	_ =	shalt  }
0x7c: {  	_ =	shalt  }
0x7d: {  	_ =	shalt  }
0x7e: {  	_ =	shalt  }
0x7f: {  	_ =	shalt  }
0x80: {  	_ =	shalt  }
0x81: {  	_ =	shalt  }
0x82: {  	_ =	shalt  }
0x83: {  	_ =	shalt  }
0x84: {  	_ =	shalt  }
0x85: {  	_ =	shalt  }
0x86: {  	_ =	shalt  }
0x87: {  	_ =	shalt  }
.Lfunc_end0:
.L_simem_size_0:
called_computation_lowered:
.L_overlay_start_0:
0x88: {  	s2 =	sld [smem:$0x3FD9]  }
0x89: {  	s3 =	sld [smem:$0x3FFE];
	_ =	sdelay $0x1  }
0x8a: {  	s1 =	srdreg.scid  }
0x8b: {  	s0 =	sand.u32 $0x1, s1  }
0x8c: {  	s17 =	sshll.u32 s0, $0xA;
	s2 =	sadd.s32 s3, s2  }
0x8d: {  	s2 =	sadd.s32 s2, s17  }
0x8e: {  	[smem:$0x3FC6] =	sst s2  }
0x8f: {  	_ = 	snop  }
0x90: {  	s2 =	sld [smem:$0x3FC8];
	(tm) =	ssettm $0x1  }
0x91: {  	s18 =	sld [smem:$0x3FFB];
	_ =	sdelay $0x3  }
0x92: {  	_ =	strace s18  }
0x93: {  	s3 =	sld [smem:$0x3FFC];
	_ =	sdelay $0x3  }
0x94: {  	_ =	strace s3  }
0x95: {  	s3 =	sld [smem:$0x3FFD];
	_ =	sdelay $0x3  }
0x96: {  	_ =	strace s3  }
0x97: {  	_ =	strace $0x8FFFFFFF  }
0x98: {  	s19 =	sld [smem:$0x3FDB];
	_ =	sdelay $0x1  }
0x99: {  	s4 =	simm.s32 $_scs_section_size  }
0x9a: {  	s5 =	simm.s32 $_size__tile_overlayer_lowered;
	s6 =	simm.s32 $_tile_overlayer_lowered  }
0x9b: {  	s22 =	simm.s32 $0x1BFF;
	s21 =	sshll.u32 s6, $0x1;
	s3 =	sadd.s32 s4, s19  }
0x9c: {  	s7 =	simm.s32 $0x0;
	s20 =	sshll.u32 s5, $0x1;
	s5 =	sadd.s32 s21, s3  }
0x9d: {  	[timem:s7], [sflag:s22] =	dma.local [hbm:s5], s20  }
0x9e: {  	_ =	swait.ge [sflag:s22], s20  }
0x9f: {  	s4 =	ssub.s32 $0x0, s20;
	[sflag:s22] =	ssyncset.done $0x0  }
0xa0: {  	[sflag:s22] =	ssyncadd.s32 s4;
	_ =	sdelay $0x1  }
0xa1: {  	s23 =	simm.s32 $0x1B8B  }
0xa2: {  	_ =	swait.ge [sflag:s23], $0x1  }
0xa3: {  	[sflag:s23] =	ssyncset.done $0x0  }
0xa4: {  	s25 =	simm.s32 $0x1B8E;
	s24 =	sld [smem:$0x3FFE];
	[sflag:s23] =	ssyncadd.s32 $0xFFFFFFFF  }
0xa5: {  	s26 =	simm.s32 $execute0_lowered;
	[smem:$0x3FD2] =	sst s25  }
0xa6: {  	s5 =	sshll.u32 s26, $0x1;
	_ =	strace $0x80000046;
	[dreg:$0x1] =	wrdreg $0xFFFFFFFF  }
0xa7: {  	s28 =	simm.s32 $_size_execute0_lowered;
	s3 =	sadd.s32 s3, s5;
	[dreg:$0x0] =	wrdreg $0x0  }
0xa8: {  	s5 =	sshll.u32 s28, $0x1;
	[dreg:$0x2] =	wrdreg s3  }
0xa9: {  	[dreg:$0x3] =	wrdreg s5  }
0xaa: {  	[dreg:$0x4] =	wrdreg $0xC0  }
0xab: {  	_ =	task [dreg:s7], $0x5FFFF  }
0xac: {  	[dreg:$0x1] =	wrdreg $0xFFFFFFFF  }
0xad: {  	[dreg:$0x0] =	wrdreg $0x60  }
0xae: {  	[dreg:$0x2] =	wrdreg s2  }
0xaf: {  	[dreg:$0x3] =	wrdreg s24  }
0xb0: {  	[dreg:$0x4] =	wrdreg $0x9  }
0xb1: {  	_ =	task.clear_ibuf [dreg:s7], $0x5FFFF;
	_ =	strace $0x90000046  }
0xb2: {  	s29 =	simm.s32 $0x9;
	_ =	strace $0x80000048  }
0xb3: {  	_ =	swait.ge [sflag:s29], $0x1  }
0xb4: {  	[sflag:s29] =	ssyncadd.s32 $0xFFFFFFFF  }
0xb5: {  	_ =	strace $0x90000048  }
0xb6: {  	_ =	sfence  }
0xb7: {  	s30 =	sld [smem:$0x0];
	_ =	sdelay $0x2  }
0xb8: {  	s31 =	sshll.u32 s1, $0xD;
	s1 =	sshrl.u32 s1, $0x2  }
0xb9: {  	s3 =	sand.u32 $0x4000, s31;
	s1 =	sadd.s32 s1, s30  }
0xba: {  	s0 =	sor.u32 s3, s0;
	s1 =	sshll.u32 s1, $0x11  }
0xbb: {  	s0 =	sor.u32 s1, s0  }
0xbc: {  	s0 =	sadd.s32 $0x8F2B, s0  }
0xbd: {  	[sflag:s0] =	ssyncadd.remote.s32 $0x1  }
0xbe: {  	_ =	sfence.sel $0xFFFF  }
0xbf: {  	[dreg:$0x0] =	wrdreg $0xFFFFFFFF;
	(pc) =	sbr.abs _section_cstart, $3  }
0xc0: {  	[dreg:$0x1] =	wrdreg $0xFFFFFFFF  }
0xc1: {  	_ =	task.clear_ibuf [dreg:s7], $0x2FFFF;
	_ =	strace $0x9FFFFFFF  }
0xc2: {  	(tm) =	ssettm $0x7FFFFFFF  }
0xc3: {  	_ =	shalt  }
tec
execute0_lowered:
.L_overlay_start_1:
0x0: {  	(tag) =	ssettag $0x1  }
0x1: {  	s3 =	rddreg [dreg:$0x0]  }
0x2: {  	s4 =	rddreg [dreg:$0x1];
	s2 =	srdreg.scid  }
0x3: {  	s0 =	rddreg [dreg:$0x2];
	s1 =	stileid.u32;
	s5 =	sand.u32 $0x1, s2  }
0x4: {  	s2 =	simm.s32 $0x0;
	s6 =	sshll.u32 s1, $0x6;
	s7 =	sshll.u32 s5, $0x5  }
0x5: {  	[smem:$0x7FF] =	sst s2;
	s5 =	ssub.s32 $0x2, s5;
	s6 =	sor.u32 s7, s6  }
0x6: {  	_ =	strace $0x80000047;
	s8 =	sshrl.u32 s5, $0x1;
	s7 =	sshll.u32 s6, $0x7  }
0x7: {  	s5 =	ssub.s32 s5, s8;
	s6 =	sshll.u32 s6, $0xB;
	s8 =	simm.s32 $0x0  }
0x8: {  	s4 =	sadd.s32 s7, s4;
	s3 =	sadd.s32 s3, s6;
	s5 =	smax.u32 s5, $0x1  }
0x9: {  	s6 =	simm.s32 $0x1;
	s7 =	simm.s32 $0x10000;
	s4 =	sadd.s32 $0x1200, s4  }
.LBB2_1:
0xa: {  	s9 =	simm.s32 $0x0  }
.LBB2_2:
0xb: {  	s10 =	sshll.u32 s9, $0xD  }
0xc: {  	s14 =	simm.s32 $0x0;
	s10 =	sadd.s32 s10, s3  }
0xd: {  	[tilespmem:s14], [sflag:$0x1] =	stream.linear.gather [hbm4b:s10+s14], $0x10000, $0x38;
	[tilespmem:$0x18000] =	vst v63  }
0xe: {  	s13 =	sand.u32 $0x60, s14;
	_ =	swait.ge [sflag:s6], $0x10000  }
0xf: {  	s12 =	sand.u32 $0x1C00, s14;
	s11 =	sor.u32 $0x10, s13;
	[sflag:s6] =	ssyncset.done $0x0  }
0x10: {  	s21 =	sor.u32 s11, s12;
	[sflag:s6] =	ssyncadd.s32 $0xFFFF0000  }
0x11: {  	v0 =	vld [tilespmem:s21+$0x0]  }
0x12: {  	s15 =	sor.u32 s13, s12;
	v1 =	vld [tilespmem:s21+$0x80]  }
0x13: {  	v2 =	vld [tilespmem:s15+$0x0]  }
0x14: {  	v3 =	vld [tilespmem:s21+$0x100]  }
0x15: {  	v4 =	vld [tilespmem:s15+$0x80]  }
0x16: {  	v5 =	vld [tilespmem:s21+$0x180]  }
0x17: {  	s16 =	sand.u32 $0x3, s14;
	v6 =	vld [tilespmem:s15+$0x100];
	v0 =	vadd.f32 v1, v0  }
0x18: {  	s16 =	sshll.u32 s16, $0x5;
	v1 =	vld [tilespmem:s21+$0x200]  }
0x19: {  	s16 =	sadd.s32 $0x0, s16;
	v7 =	vld [tilespmem:s15+$0x180];
	v0 =	vadd.f32 v3, v0  }
0x1a: {  	s22 =	sadd.s32 $0x10, s16;
	v2 =	vadd.f32 v4, v2;
	v3 =	vld [tilespmem:s21+$0x280]  }
0x1b: {  	s17 =	sor.u32 $0x300, s22;
	v4 =	vld [tilespmem:s15+$0x200];
	v0 =	vadd.f32 v5, v0  }
0x1c: {  	v2 =	vadd.f32 v6, v2;
	v5 =	vld [tilespmem:s17+$0x0]  }
0x1d: {  	s10 =	sor.u32 $0x380, s22;
	v6 =	vld [tilespmem:s15+$0x280];
	v0 =	vadd.f32 v1, v0  }
0x1e: {  	s24 =	sor.u32 $0x2000, s12;
	s23 =	sor.u32 $0x300, s16;
	v2 =	vadd.f32 v7, v2;
	v1 =	vld [tilespmem:s10+$0x0]  }
0x1f: {  	s25 =	sor.u32 s14, s14;
	s26 =	sor.u32 s11, s24;
	v7 =	vld [tilespmem:s23+$0x0];
	v0 =	vadd.f32 v3, v0  }
0x20: {  	s28 =	sor.u32 $0x2080, s12;
	s10 =	sor.u32 $0x380, s25;
	v2 =	vadd.f32 v4, v2;
	v3 =	vld [tilespmem:s26+$0x0]  }
0x21: {  	s29 =	sor.u32 s11, s28;
	v4 =	vld [tilespmem:s10+$0x0];
	v0 =	vadd.f32 v5, v0  }
0x22: {  	s31 =	sor.u32 $0x2100, s12;
	s30 =	sor.u32 s13, s24;
	v2 =	vadd.f32 v6, v2;
	v5 =	vld [tilespmem:s29+$0x0]  }
0x23: {  	s18 =	sor.u32 s11, s31;
	v6 =	vld [tilespmem:s30+$0x0];
	v0 =	vadd.f32 v1, v0  }
0x24: {  	s20 =	sor.u32 $0x2180, s12;
	s19 =	sor.u32 s13, s28;
	v2 =	vadd.f32 v7, v2;
	v1 =	vld [tilespmem:s18+$0x0]  }
0x25: {  	s24 =	sshll.u32 s9, $0x9;
	s16 =	sor.u32 s13, s31;
	s21 =	sor.u32 s11, s20;
	v7 =	vld [tilespmem:s19+$0x0];
	v0 =	vadd.f32 v3, v0  }
0x26: {  	s31 =	sor.u32 $0x2380, s12;
	s22 =	sshll.u32 s9, $0xC;
	s18 =	sor.u32 $0x2200, s12;
	v2 =	vadd.f32 v4, v2;
	v3 =	vld [tilespmem:s21+$0x0]  }
0x27: {  	s15 =	sand.u32 $0x200, s24;
	s23 =	sand.u32 $0x6000, s22;
	v4 =	vld [tilespmem:s16+$0x0];
	s25 =	sor.u32 s11, s18;
	v5 =	vadd.f32 v5, v0  }
0x28: {  	s17 =	sor.u32 s13, s20;
	s22 =	sor.u32 s13, s31;
	s19 =	sor.u32 $0x2280, s12;
	v8 =	vld [tilespmem:s25+$0x0];
	v2 =	vadd.f32 v6, v2  }
0x29: {  	s20 =	simm.s32 $0x0;
	s10 =	sor.u32 s15, s23;
	s26 =	sor.u32 s11, s19;
	v0 =	vld [tilespmem:s17+$0x0];
	v5 =	vadd.f32 v1, v5  }
0x2a: {  	s15 =	simm.s32 $0x0;
	s29 =	sor.u32 $0x2300, s12;
	s28 =	sor.u32 s13, s18;
	v6 =	vadd.f32 v7, v2;
	v1 =	vld [tilespmem:s26+$0x0]  }
0x2b: {  	s23 =	sor.u32 s11, s31;
	s10 =	sor.u32 $0x10000, s10;
	s30 =	sor.u32 s11, s29;
	v2 =	vld [tilespmem:s28+$0x0];
	v5 =	vadd.f32 v3, v5  }
0x2c: {  	s19 =	sor.u32 s13, s19;
	s16 =	smov.u32 s12;
	s18 =	smov.u32 s11;
	v6 =	vadd.f32 v4, v6;
	v3 =	vld [tilespmem:s30+$0x0]  }
0x2d: {  	s21 =	sor.u32 s13, s29;
	s17 =	smov.u32 s13;
	v4 =	vld [tilespmem:s19+$0x0];
	s19 =	simm.s32 $0x20;
	v5 =	vadd.f32 v8, v5  }
.LBB2_3:
0x2e: {  	s24 =	sand.u32 $0x60, s19;
	v0 =	vadd.f32 v0, v6;
	v6 =	vld [tilespmem:s23+$0x0];
	s14 =	sadd.s32 $0x100, s14  }
0x2f: {  	s15 =	sadd.s32 $0x2, s15;
	s23 =	sand.u32 $0x1C00, s14;
	s25 =	sor.u32 $0x10, s24;
	v7 =	vld [tilespmem:s21+$0x0];
	v1 =	vadd.f32 v1, v5  }
0x30: {  	p0 =	slt.u32 s15, $0x3E;
	s26 =	sor.u32 s24, s23;
	s28 =	sor.u32 s25, s23;
	v0 =	vadd.f32 v2, v0;
	v2 =	vld [tilespmem:s22+$0x0]  }
0x31: {  	s21 =	sor.u32 s14, s19;
	v5 =	vld [tilespmem:s28+$0x0];
	v1 =	vadd.f32 v3, v1  }
0x32: {  	s21 =	sor.u32 $0x380, s21;
	v3 =	vld [tilespmem:s28+$0x80];
	v0 =	vadd.f32 v4, v0  }
0x33: {  	v4 =	vld [tilespmem:s26+$0x0];
	v1 =	vadd.f32 v6, v1  }
0x34: {  	v6 =	vld [tilespmem:s28+$0x100];
	v0 =	vadd.f32 v7, v0  }
0x35: {  	s22 =	sadd.s32 s16, s10;
	s16 =	smov.u32 s23;
	v7 =	vld [tilespmem:s26+$0x80];
	v1 =	vmul.f32 $6.250000000e-02, v1  }
0x36: {  	s20 =	sadd.s32 $0x1, s20;
	s23 =	sadd.s32 s17, s22;
	s17 =	sadd.s32 s18, s22;
	v8 =	vld [tilespmem:s28+$0x180];
	v0 =	vadd.f32 v2, v0  }
0x37: {  	s22 =	sand.u32 $0x3, s20;
	s18 =	smov.u32 s25;
	v2 =	vld [tilespmem:s26+$0x100];
	v3 =	vadd.f32 v3, v5;
	[tilespmem:s17+$0x0] =	vst v1;
	s17 =	smov.u32 s24  }
0x38: {  	s22 =	sshll.u32 s22, $0x5;
	v1 =	vld [tilespmem:s28+$0x200];
	v0 =	vmul.f32 $6.250000000e-02, v0  }
0x39: {  	s22 =	sadd.s32 s22, s14;
	v5 =	vld [tilespmem:s26+$0x180];
	v3 =	vadd.f32 v6, v3  }
0x3a: {  	s24 =	sor.u32 $0x300, s22;
	s22 =	sadd.s32 $0x10, s22;
	v4 =	vadd.f32 v7, v4;
	v6 =	vld [tilespmem:s28+$0x280];
	[tilespmem:s23+$0x0] =	vst v0  }
0x3b: {  	s23 =	sor.u32 $0x300, s22;
	v0 =	vld [tilespmem:s26+$0x200];
	v3 =	vadd.f32 v8, v3  }
0x3c: {  	v2 =	vadd.f32 v2, v4;
	v4 =	vld [tilespmem:s23+$0x0]  }
0x3d: {  	s22 =	sor.u32 $0x380, s22;
	v7 =	vld [tilespmem:s26+$0x280];
	v1 =	vadd.f32 v1, v3  }
0x3e: {  	s23 =	sor.u32 $0x2000, s16;
	v2 =	vadd.f32 v5, v2;
	v3 =	vld [tilespmem:s22+$0x0]  }
0x3f: {  	s22 =	sor.u32 s17, s23;
	s23 =	sor.u32 s18, s23;
	v5 =	vld [tilespmem:s24+$0x0];
	v1 =	vadd.f32 v6, v1  }
0x40: {  	s24 =	sor.u32 $0x2080, s16;
	v0 =	vadd.f32 v0, v2;
	v2 =	vld [tilespmem:s23+$0x0]  }
0x41: {  	s23 =	sor.u32 s18, s24;
	v6 =	vld [tilespmem:s21+$0x0];
	s21 =	sor.u32 s17, s24;
	v1 =	vadd.f32 v4, v1  }
0x42: {  	s24 =	sor.u32 $0x2100, s16;
	v0 =	vadd.f32 v7, v0;
	v4 =	vld [tilespmem:s23+$0x0]  }
0x43: {  	s23 =	sor.u32 s18, s24;
	v7 =	vld [tilespmem:s22+$0x0];
	s22 =	sor.u32 s17, s24;
	v1 =	vadd.f32 v3, v1  }
0x44: {  	s24 =	sor.u32 $0x2180, s16;
	v0 =	vadd.f32 v5, v0;
	v3 =	vld [tilespmem:s23+$0x0]  }
0x45: {  	s23 =	sor.u32 s18, s24;
	v5 =	vld [tilespmem:s21+$0x0];
	s21 =	sor.u32 s17, s24;
	v1 =	vadd.f32 v2, v1  }
0x46: {  	s24 =	sor.u32 $0x2200, s16;
	v0 =	vadd.f32 v6, v0;
	v6 =	vld [tilespmem:s23+$0x0]  }
0x47: {  	s23 =	sor.u32 s18, s24;
	v8 =	vld [tilespmem:s22+$0x0];
	s22 =	sor.u32 s17, s24;
	v1 =	vadd.f32 v4, v1  }
0x48: {  	s24 =	sor.u32 $0x2280, s16;
	v2 =	vadd.f32 v7, v0;
	v7 =	vld [tilespmem:s23+$0x0]  }
.Ltmp0:
0x49: {  	s23 =	sor.u32 s17, s24;
	v0 =	vld [tilespmem:s21+$0x0];
	v3 =	vadd.f32 v3, v1;
	s21 =	sor.u32 s18, s24;
	(pc) =	sbr.rel @p0 .LBB2_3-.Ltmp0, $4  }
0x4a: {  	s24 =	sor.u32 $0x2300, s16;
	v4 =	vadd.f32 v5, v2;
	v1 =	vld [tilespmem:s21+$0x0]  }
0x4b: {  	s21 =	sor.u32 s17, s24;
	v2 =	vld [tilespmem:s22+$0x0];
	v5 =	vadd.f32 v6, v3;
	s22 =	sor.u32 s18, s24  }
0x4c: {  	s24 =	sor.u32 $0x2380, s16;
	v6 =	vadd.f32 v8, v4;
	v3 =	vld [tilespmem:s22+$0x0]  }
0x4d: {  	s19 =	sadd.s32 $0x20, s19;
	s22 =	sor.u32 s17, s24;
	v4 =	vld [tilespmem:s23+$0x0];
	v5 =	vadd.f32 v7, v5;
	s23 =	sor.u32 s18, s24  }
0x4e: {  	v0 =	vadd.f32 v0, v6  }
0x4f: {  	v6 =	vld [tilespmem:s21+$0x0]  }
0x50: {  	v7 =	vld [tilespmem:s23+$0x0];
	v0 =	vadd.f32 v2, v0  }
0x51: {  	v1 =	vadd.f32 v1, v5;
	v2 =	vld [tilespmem:s22+$0x0]  }
0x52: {  	v0 =	vadd.f32 v4, v0  }
0x53: {  	v1 =	vadd.f32 v3, v1  }
0x54: {  	v0 =	vadd.f32 v6, v0  }
0x55: {  	v1 =	vadd.f32 v7, v1  }
0x56: {  	v0 =	vadd.f32 v2, v0  }
0x57: {  	s14 =	sadd.s32 s16, s10;
	v1 =	vmul.f32 $6.250000000e-02, v1  }
0x58: {  	s15 =	sadd.s32 s18, s14;
	v0 =	vmul.f32 $6.250000000e-02, v0  }
0x59: {  	s14 =	sadd.s32 s17, s14;
	s18 =	sor.u32 $0x4000, s12;
	[tilespmem:s15+$0x0] =	vst v1  }
0x5a: {  	s19 =	sor.u32 $0x4080, s12;
	s20 =	sor.u32 s11, s18;
	[tilespmem:s14+$0x0] =	vst v0  }
0x5b: {  	s21 =	sor.u32 s11, s19;
	v0 =	vld [tilespmem:s20+$0x0]  }
0x5c: {  	s22 =	sor.u32 $0x4100, s12;
	s15 =	sor.u32 s13, s18;
	v1 =	vld [tilespmem:s21+$0x0]  }
0x5d: {  	s23 =	sor.u32 s11, s22;
	v2 =	vld [tilespmem:s15+$0x0]  }
0x5e: {  	s24 =	sor.u32 $0x4180, s12;
	s14 =	sor.u32 s13, s19;
	v3 =	vld [tilespmem:s23+$0x0]  }
0x5f: {  	s25 =	sor.u32 s11, s24;
	v4 =	vld [tilespmem:s14+$0x0]  }
0x60: {  	s28 =	sor.u32 $0x4200, s12;
	s26 =	sor.u32 s13, s22;
	v5 =	vld [tilespmem:s25+$0x0]  }
0x61: {  	s29 =	sor.u32 s11, s28;
	v6 =	vld [tilespmem:s26+$0x0];
	v0 =	vadd.f32 v1, v0  }
0x62: {  	s31 =	sor.u32 $0x4280, s12;
	s30 =	sor.u32 s13, s24;
	v1 =	vld [tilespmem:s29+$0x0]  }
0x63: {  	v7 =	vld [tilespmem:s30+$0x0];
	s15 =	sor.u32 s11, s31;
	v0 =	vadd.f32 v3, v0  }
0x64: {  	s17 =	sor.u32 s13, s28;
	s18 =	sor.u32 $0x4300, s12;
	v2 =	vadd.f32 v4, v2;
	v3 =	vld [tilespmem:s15+$0x0]  }
0x65: {  	s19 =	sor.u32 s11, s18;
	v4 =	vld [tilespmem:s17+$0x0];
	v0 =	vadd.f32 v5, v0  }
0x66: {  	s20 =	sor.u32 s13, s31;
	s21 =	sor.u32 $0x4380, s12;
	v2 =	vadd.f32 v6, v2;
	v5 =	vld [tilespmem:s19+$0x0]  }
0x67: {  	s22 =	sor.u32 s11, s21;
	v6 =	vld [tilespmem:s20+$0x0];
	v0 =	vadd.f32 v1, v0  }
0x68: {  	s24 =	sor.u32 $0x6000, s12;
	s23 =	sor.u32 s13, s18;
	v2 =	vadd.f32 v7, v2;
	v1 =	vld [tilespmem:s22+$0x0]  }
0x69: {  	s25 =	sor.u32 s11, s24;
	v7 =	vld [tilespmem:s23+$0x0];
	v0 =	vadd.f32 v3, v0  }
0x6a: {  	s28 =	sor.u32 $0x6080, s12;
	s26 =	sor.u32 s13, s21;
	v2 =	vadd.f32 v4, v2;
	v3 =	vld [tilespmem:s25+$0x0]  }
0x6b: {  	s29 =	sor.u32 s11, s28;
	v4 =	vld [tilespmem:s26+$0x0];
	v0 =	vadd.f32 v5, v0  }
0x6c: {  	s30 =	sor.u32 s13, s24;
	s31 =	sor.u32 $0x6100, s12;
	v2 =	vadd.f32 v6, v2;
	v5 =	vld [tilespmem:s29+$0x0]  }
0x6d: {  	s18 =	sor.u32 s11, s31;
	v6 =	vld [tilespmem:s30+$0x0];
	v0 =	vadd.f32 v1, v0  }
0x6e: {  	v8 =	vld [tilespmem:s18+$0x0];
	s20 =	sor.u32 $0x6180, s12;
	s19 =	sor.u32 s13, s28;
	v1 =	vadd.f32 v7, v2  }
0x6f: {  	s21 =	sor.u32 s11, s20;
	v2 =	vld [tilespmem:s19+$0x0];
	v0 =	vadd.f32 v3, v0  }
0x70: {  	s23 =	sor.u32 $0x6200, s12;
	s22 =	sor.u32 s13, s31;
	v3 =	vld [tilespmem:s21+$0x0];
	v1 =	vadd.f32 v4, v1  }
0x71: {  	s24 =	sor.u32 s11, s23;
	v4 =	vld [tilespmem:s22+$0x0];
	v0 =	vadd.f32 v5, v0  }
0x72: {  	s26 =	sor.u32 $0x6280, s12;
	s25 =	sor.u32 s13, s20;
	v5 =	vld [tilespmem:s24+$0x0];
	v6 =	vadd.f32 v6, v1  }
0x73: {  	s28 =	sor.u32 s11, s26;
	v1 =	vld [tilespmem:s25+$0x0];
	v7 =	vadd.f32 v8, v0  }
0x74: {  	s30 =	sor.u32 $0x6300, s12;
	s29 =	sor.u32 s13, s23;
	v0 =	vld [tilespmem:s28+$0x0];
	v6 =	vadd.f32 v2, v6  }
0x75: {  	s14 =	simm.s32 $0x0;
	s31 =	sor.u32 s11, s30;
	v2 =	vld [tilespmem:s29+$0x0];
	v7 =	vadd.f32 v3, v7  }
0x76: {  	s18 =	sor.u32 $0x6380, s12;
	s15 =	simm.s32 $0x100;
	s16 =	sor.u32 s13, s26;
	v3 =	vld [tilespmem:s31+$0x0];
	v6 =	vadd.f32 v4, v6  }
0x77: {  	s17 =	sor.u32 s13, s30;
	s19 =	sor.u32 s11, s18;
	v4 =	vld [tilespmem:s16+$0x0];
	s16 =	simm.s32 $0x20;
	v5 =	vadd.f32 v5, v7  }
.LBB2_5:
0x78: {  	s20 =	sand.u32 $0x60, s16;
	s21 =	sand.u32 $0x1C00, s15;
	v1 =	vadd.f32 v1, v6;
	s18 =	sor.u32 s13, s18;
	v6 =	vld [tilespmem:s19+$0x0]  }
0x79: {  	s14 =	sadd.s32 $0x2, s14;
	s19 =	sor.u32 $0x4000, s21;
	s22 =	sor.u32 $0x10, s20;
	v7 =	vld [tilespmem:s17+$0x0];
	v0 =	vadd.f32 v0, v5  }
0x7a: {  	s17 =	sor.u32 $0x4080, s21;
	p0 =	slt.u32 s14, $0x3E;
	s23 =	sor.u32 s22, s19;
	v1 =	vadd.f32 v2, v1;
	v2 =	vld [tilespmem:s18+$0x0]  }
0x7b: {  	s18 =	sor.u32 s20, s19;
	s19 =	sor.u32 s20, s17;
	s17 =	sor.u32 s22, s17;
	v5 =	vld [tilespmem:s23+$0x0];
	v0 =	vadd.f32 v3, v0  }
0x7c: {  	s23 =	sor.u32 $0x4100, s21;
	v3 =	vld [tilespmem:s17+$0x0];
	v1 =	vadd.f32 v4, v1  }
0x7d: {  	s17 =	sor.u32 s20, s23;
	v4 =	vld [tilespmem:s18+$0x0];
	s18 =	sor.u32 s22, s23;
	v0 =	vadd.f32 v6, v0  }
0x7e: {  	s12 =	sadd.s32 s12, s10;
	s23 =	sor.u32 $0x4180, s21;
	v6 =	vld [tilespmem:s18+$0x0];
	v1 =	vadd.f32 v7, v1  }
0x7f: {  	s12 =	sadd.s32 $0x80, s12;
	s18 =	sor.u32 s20, s23;
	v7 =	vld [tilespmem:s19+$0x0];
	s19 =	sor.u32 s22, s23;
	v0 =	vmul.f32 $6.250000000e-02, v0  }
0x80: {  	s11 =	sadd.s32 s11, s12;
	s23 =	sor.u32 $0x4200, s21;
	v8 =	vld [tilespmem:s19+$0x0];
	v1 =	vadd.f32 v2, v1;
	s19 =	sadd.s32 s13, s12  }
0x81: {  	s12 =	sor.u32 s22, s23;
	v2 =	vld [tilespmem:s17+$0x0];
	s17 =	sor.u32 s20, s23;
	v3 =	vadd.f32 v3, v5;
	[tilespmem:s11+$0x0] =	vst v0  }
0x82: {  	s13 =	smov.u32 s20;
	s11 =	sor.u32 $0x4280, s21;
	v0 =	vld [tilespmem:s12+$0x0];
	v1 =	vmul.f32 $6.250000000e-02, v1;
	s12 =	smov.u32 s21  }
0x83: {  	s20 =	sor.u32 s22, s11;
	v5 =	vld [tilespmem:s18+$0x0];
	s18 =	sor.u32 s13, s11;
	v3 =	vadd.f32 v6, v3;
	s11 =	smov.u32 s22  }
0x84: {  	s21 =	sor.u32 $0x4300, s12;
	v4 =	vadd.f32 v7, v4;
	v6 =	vld [tilespmem:s20+$0x0];
	[tilespmem:s19+$0x0] =	vst v1  }
0x85: {  	s19 =	sor.u32 s11, s21;
	v1 =	vld [tilespmem:s17+$0x0];
	s17 =	sor.u32 s13, s21;
	v3 =	vadd.f32 v8, v3  }
0x86: {  	s20 =	sor.u32 $0x4380, s12;
	v2 =	vadd.f32 v2, v4;
	v4 =	vld [tilespmem:s19+$0x0]  }
0x87: {  	s19 =	sor.u32 s11, s20;
	v7 =	vld [tilespmem:s18+$0x0];
	s18 =	sor.u32 s13, s20;
	v0 =	vadd.f32 v0, v3  }
0x88: {  	s20 =	sor.u32 $0x6000, s12;
	v2 =	vadd.f32 v5, v2;
	v3 =	vld [tilespmem:s19+$0x0]  }
0x89: {  	s19 =	sor.u32 s11, s20;
	v5 =	vld [tilespmem:s17+$0x0];
	s17 =	sor.u32 s13, s20;
	v0 =	vadd.f32 v6, v0  }
0x8a: {  	s20 =	sor.u32 $0x6080, s12;
	v1 =	vadd.f32 v1, v2;
	v2 =	vld [tilespmem:s19+$0x0]  }
0x8b: {  	s19 =	sor.u32 s11, s20;
	v6 =	vld [tilespmem:s18+$0x0];
	s18 =	sor.u32 s13, s20;
	v0 =	vadd.f32 v4, v0  }
0x8c: {  	s20 =	sor.u32 $0x6100, s12;
	v1 =	vadd.f32 v7, v1;
	v4 =	vld [tilespmem:s19+$0x0]  }
0x8d: {  	s19 =	sor.u32 s11, s20;
	v7 =	vld [tilespmem:s17+$0x0];
	s17 =	sor.u32 s13, s20;
	v0 =	vadd.f32 v3, v0  }
0x8e: {  	s20 =	sor.u32 $0x6180, s12;
	v1 =	vadd.f32 v5, v1;
	v3 =	vld [tilespmem:s19+$0x0]  }
0x8f: {  	s19 =	sor.u32 s11, s20;
	v5 =	vld [tilespmem:s18+$0x0];
	s18 =	sor.u32 s13, s20;
	v0 =	vadd.f32 v2, v0  }
0x90: {  	s20 =	sor.u32 $0x6200, s12;
	v1 =	vadd.f32 v6, v1;
	v6 =	vld [tilespmem:s19+$0x0]  }
0x91: {  	s19 =	sor.u32 s11, s20;
	v8 =	vld [tilespmem:s17+$0x0];
	s17 =	sor.u32 s13, s20;
	v0 =	vadd.f32 v4, v0  }
0x92: {  	s20 =	sor.u32 $0x6280, s12;
	v2 =	vadd.f32 v7, v1;
	v7 =	vld [tilespmem:s19+$0x0]  }
.Ltmp1:
0x93: {  	s19 =	sor.u32 s13, s20;
	v1 =	vld [tilespmem:s18+$0x0];
	v3 =	vadd.f32 v3, v0;
	s18 =	sor.u32 s11, s20;
	(pc) =	sbr.rel @p0 .LBB2_5-.Ltmp1, $4  }
0x94: {  	s20 =	sor.u32 $0x6300, s12;
	v4 =	vadd.f32 v5, v2;
	v0 =	vld [tilespmem:s18+$0x0]  }
0x95: {  	v2 =	vld [tilespmem:s17+$0x0];
	s17 =	sor.u32 s13, s20;
	v5 =	vadd.f32 v6, v3;
	s20 =	sor.u32 s11, s20  }
0x96: {  	s18 =	sor.u32 $0x6380, s12;
	v6 =	vadd.f32 v8, v4;
	v3 =	vld [tilespmem:s20+$0x0]  }
0x97: {  	s15 =	sadd.s32 $0x100, s15;
	s16 =	sadd.s32 $0x20, s16;
	v4 =	vld [tilespmem:s19+$0x0];
	v5 =	vadd.f32 v7, v5;
	s19 =	sor.u32 s11, s18  }
0x98: {  	v1 =	vadd.f32 v1, v6  }
0x99: {  	v6 =	vld [tilespmem:s17+$0x0]  }
0x9a: {  	s14 =	sor.u32 s13, s18;
	v7 =	vld [tilespmem:s19+$0x0];
	v1 =	vadd.f32 v2, v1  }
0x9b: {  	v0 =	vadd.f32 v0, v5;
	v2 =	vld [tilespmem:s14+$0x0]  }
0x9c: {  	v1 =	vadd.f32 v4, v1  }
0x9d: {  	v0 =	vadd.f32 v3, v0  }
0x9e: {  	v1 =	vadd.f32 v6, v1  }
0x9f: {  	v0 =	vadd.f32 v7, v0  }
0xa0: {  	s12 =	sadd.s32 s12, s10;
	v1 =	vadd.f32 v2, v1  }
0xa1: {  	s31 =	simm.s32 $0x0;
	s15 =	sadd.s32 $0x80, s12;
	v0 =	vmul.f32 $6.250000000e-02, v0  }
0xa2: {  	s12 =	sand.u32 $0x1C00, s31;
	s16 =	sadd.s32 s11, s15;
	s11 =	sand.u32 $0x60, s31;
	v1 =	vmul.f32 $6.250000000e-02, v1  }
0xa3: {  	s17 =	sadd.s32 s13, s15;
	s18 =	sor.u32 $0x8000, s12;
	s13 =	sor.u32 $0x10, s11;
	[tilespmem:s16+$0x0] =	vst v0  }
0xa4: {  	s19 =	sor.u32 $0x8080, s12;
	s20 =	sor.u32 s13, s18;
	[tilespmem:s17+$0x0] =	vst v1  }
0xa5: {  	s21 =	sor.u32 s13, s19;
	v0 =	vld [tilespmem:s20+$0x0]  }
0xa6: {  	s22 =	sor.u32 $0x8100, s12;
	s15 =	sor.u32 s11, s18;
	v1 =	vld [tilespmem:s21+$0x0]  }
0xa7: {  	s23 =	sor.u32 s13, s22;
	v2 =	vld [tilespmem:s15+$0x0]  }
0xa8: {  	s24 =	sor.u32 $0x8180, s12;
	s14 =	sor.u32 s11, s19;
	v3 =	vld [tilespmem:s23+$0x0]  }
0xa9: {  	s25 =	sor.u32 s13, s24;
	v4 =	vld [tilespmem:s14+$0x0]  }
0xaa: {  	s28 =	sor.u32 $0x8200, s12;
	s26 =	sor.u32 s11, s22;
	v5 =	vld [tilespmem:s25+$0x0]  }
0xab: {  	s29 =	sor.u32 s13, s28;
	v6 =	vld [tilespmem:s26+$0x0];
	v0 =	vadd.f32 v1, v0  }
0xac: {  	s31 =	sor.u32 $0x8280, s12;
	s30 =	sor.u32 s11, s24;
	v1 =	vld [tilespmem:s29+$0x0]  }
0xad: {  	v7 =	vld [tilespmem:s30+$0x0];
	s15 =	sor.u32 s13, s31;
	v0 =	vadd.f32 v3, v0  }
0xae: {  	s18 =	sor.u32 $0x8300, s12;
	s17 =	sor.u32 s11, s28;
	v2 =	vadd.f32 v4, v2;
	v3 =	vld [tilespmem:s15+$0x0]  }
0xaf: {  	s19 =	sor.u32 s13, s18;
	v4 =	vld [tilespmem:s17+$0x0];
	v0 =	vadd.f32 v5, v0  }
0xb0: {  	s20 =	sor.u32 s11, s31;
	s21 =	sor.u32 $0x8380, s12;
	v2 =	vadd.f32 v6, v2;
	v5 =	vld [tilespmem:s19+$0x0]  }
0xb1: {  	s22 =	sor.u32 s13, s21;
	v6 =	vld [tilespmem:s20+$0x0];
	v0 =	vadd.f32 v1, v0  }
0xb2: {  	s24 =	sor.u32 $0xA000, s12;
	s23 =	sor.u32 s11, s18;
	v2 =	vadd.f32 v7, v2;
	v1 =	vld [tilespmem:s22+$0x0]  }
0xb3: {  	s25 =	sor.u32 s13, s24;
	v7 =	vld [tilespmem:s23+$0x0];
	v0 =	vadd.f32 v3, v0  }
0xb4: {  	s28 =	sor.u32 $0xA080, s12;
	s26 =	sor.u32 s11, s21;
	v2 =	vadd.f32 v4, v2;
	v3 =	vld [tilespmem:s25+$0x0]  }
0xb5: {  	s29 =	sor.u32 s13, s28;
	v4 =	vld [tilespmem:s26+$0x0];
	v0 =	vadd.f32 v5, v0  }
0xb6: {  	s30 =	sor.u32 s11, s24;
	s31 =	sor.u32 $0xA100, s12;
	v2 =	vadd.f32 v6, v2;
	v5 =	vld [tilespmem:s29+$0x0]  }
0xb7: {  	s18 =	sor.u32 s13, s31;
	v6 =	vld [tilespmem:s30+$0x0];
	v0 =	vadd.f32 v1, v0  }
0xb8: {  	v8 =	vld [tilespmem:s18+$0x0];
	s20 =	sor.u32 $0xA180, s12;
	s19 =	sor.u32 s11, s28;
	v1 =	vadd.f32 v7, v2  }
0xb9: {  	s21 =	sor.u32 s13, s20;
	v2 =	vld [tilespmem:s19+$0x0];
	v0 =	vadd.f32 v3, v0  }
0xba: {  	s23 =	sor.u32 $0xA200, s12;
	s22 =	sor.u32 s11, s31;
	v3 =	vld [tilespmem:s21+$0x0];
	v1 =	vadd.f32 v4, v1  }
0xbb: {  	s24 =	sor.u32 s13, s23;
	v4 =	vld [tilespmem:s22+$0x0];
	v0 =	vadd.f32 v5, v0  }
0xbc: {  	s26 =	sor.u32 $0xA280, s12;
	s25 =	sor.u32 s11, s20;
	v5 =	vld [tilespmem:s24+$0x0];
	v6 =	vadd.f32 v6, v1  }
0xbd: {  	s14 =	simm.s32 $0x0;
	s28 =	sor.u32 s13, s26;
	v1 =	vld [tilespmem:s25+$0x0];
	v7 =	vadd.f32 v8, v0  }
0xbe: {  	s18 =	simm.s32 $0x100;
	s30 =	sor.u32 $0xA300, s12;
	s29 =	sor.u32 s11, s23;
	v0 =	vld [tilespmem:s28+$0x0];
	v6 =	vadd.f32 v2, v6  }
0xbf: {  	s17 =	smov.u32 s13;
	s15 =	smov.u32 s11;
	s31 =	sor.u32 s13, s30;
	v2 =	vld [tilespmem:s29+$0x0];
	v7 =	vadd.f32 v3, v7  }
0xc0: {  	s16 =	sor.u32 s11, s26;
	s20 =	sor.u32 s11, s30;
	s21 =	sor.u32 $0xA380, s12;
	v3 =	vld [tilespmem:s31+$0x0];
	v6 =	vadd.f32 v4, v6  }
0xc1: {  	s19 =	simm.s32 $0x20;
	s22 =	sor.u32 s13, s21;
	v4 =	vld [tilespmem:s16+$0x0];
	s16 =	smov.u32 s12;
	v5 =	vadd.f32 v5, v7  }
.LBB2_7:
0xc2: {  	s23 =	sand.u32 $0x60, s19;
	s24 =	sand.u32 $0x1C00, s18;
	v1 =	vadd.f32 v1, v6;
	s21 =	sor.u32 s15, s21;
	v6 =	vld [tilespmem:s22+$0x0]  }
0xc3: {  	s14 =	sadd.s32 $0x2, s14;
	s22 =	sor.u32 $0x8000, s24;
	s25 =	sor.u32 $0x10, s23;
	v7 =	vld [tilespmem:s20+$0x0];
	v0 =	vadd.f32 v0, v5  }
0xc4: {  	s20 =	sor.u32 $0x8080, s24;
	p0 =	slt.u32 s14, $0x3E;
	s26 =	sor.u32 s25, s22;
	v1 =	vadd.f32 v2, v1;
	v2 =	vld [tilespmem:s21+$0x0]  }
0xc5: {  	s21 =	sor.u32 s23, s22;
	s22 =	sor.u32 s23, s20;
	s20 =	sor.u32 s25, s20;
	v5 =	vld [tilespmem:s26+$0x0];
	v0 =	vadd.f32 v3, v0  }
0xc6: {  	s26 =	sor.u32 $0x8100, s24;
	v3 =	vld [tilespmem:s20+$0x0];
	v1 =	vadd.f32 v4, v1  }
0xc7: {  	s20 =	sor.u32 s23, s26;
	v4 =	vld [tilespmem:s21+$0x0];
	s21 =	sor.u32 s25, s26;
	v0 =	vadd.f32 v6, v0  }
0xc8: {  	s26 =	sor.u32 $0x8180, s24;
	v6 =	vld [tilespmem:s21+$0x0];
	v1 =	vadd.f32 v7, v1;
	s21 =	sadd.s32 s16, s10;
	s16 =	smov.u32 s24  }
0xc9: {  	s24 =	sor.u32 s25, s26;
	v7 =	vld [tilespmem:s22+$0x0];
	s22 =	sor.u32 s23, s26;
	s21 =	sadd.s32 $0x100, s21;
	v0 =	vmul.f32 $6.250000000e-02, v0  }
0xca: {  	s26 =	sor.u32 $0x8200, s16;
	v8 =	vld [tilespmem:s24+$0x0];
	v1 =	vadd.f32 v2, v1;
	s24 =	sadd.s32 s15, s21;
	s15 =	sadd.s32 s17, s21  }
0xcb: {  	s17 =	sor.u32 s25, s26;
	v2 =	vld [tilespmem:s20+$0x0];
	s20 =	sor.u32 s23, s26;
	v3 =	vadd.f32 v3, v5;
	[tilespmem:s15+$0x0] =	vst v0;
	s15 =	smov.u32 s23  }
0xcc: {  	s21 =	sor.u32 $0x8280, s16;
	v0 =	vld [tilespmem:s17+$0x0];
	v1 =	vmul.f32 $6.250000000e-02, v1;
	s17 =	smov.u32 s25  }
0xcd: {  	v5 =	vld [tilespmem:s22+$0x0];
	s22 =	sor.u32 s15, s21;
	v3 =	vadd.f32 v6, v3;
	s21 =	sor.u32 s17, s21  }
0xce: {  	s23 =	sor.u32 $0x8300, s16;
	v4 =	vadd.f32 v7, v4;
	v6 =	vld [tilespmem:s21+$0x0];
	[tilespmem:s24+$0x0] =	vst v1  }
0xcf: {  	s21 =	sor.u32 s17, s23;
	v1 =	vld [tilespmem:s20+$0x0];
	s20 =	sor.u32 s15, s23;
	v3 =	vadd.f32 v8, v3  }
0xd0: {  	s23 =	sor.u32 $0x8380, s16;
	v2 =	vadd.f32 v2, v4;
	v4 =	vld [tilespmem:s21+$0x0]  }
0xd1: {  	s21 =	sor.u32 s15, s23;
	v7 =	vld [tilespmem:s22+$0x0];
	v0 =	vadd.f32 v0, v3;
	s22 =	sor.u32 s17, s23  }
0xd2: {  	s23 =	sor.u32 $0xA000, s16;
	v2 =	vadd.f32 v5, v2;
	v3 =	vld [tilespmem:s22+$0x0]  }
0xd3: {  	s22 =	sor.u32 s17, s23;
	v5 =	vld [tilespmem:s20+$0x0];
	s20 =	sor.u32 s15, s23;
	v0 =	vadd.f32 v6, v0  }
0xd4: {  	s23 =	sor.u32 $0xA080, s16;
	v1 =	vadd.f32 v1, v2;
	v2 =	vld [tilespmem:s22+$0x0]  }
0xd5: {  	s22 =	sor.u32 s17, s23;
	v6 =	vld [tilespmem:s21+$0x0];
	s21 =	sor.u32 s15, s23;
	v0 =	vadd.f32 v4, v0  }
0xd6: {  	s23 =	sor.u32 $0xA100, s16;
	v1 =	vadd.f32 v7, v1;
	v4 =	vld [tilespmem:s22+$0x0]  }
0xd7: {  	s22 =	sor.u32 s17, s23;
	v7 =	vld [tilespmem:s20+$0x0];
	s20 =	sor.u32 s15, s23;
	v0 =	vadd.f32 v3, v0  }
0xd8: {  	s23 =	sor.u32 $0xA180, s16;
	v1 =	vadd.f32 v5, v1;
	v3 =	vld [tilespmem:s22+$0x0]  }
0xd9: {  	s22 =	sor.u32 s17, s23;
	v5 =	vld [tilespmem:s21+$0x0];
	s21 =	sor.u32 s15, s23;
	v0 =	vadd.f32 v2, v0  }
0xda: {  	s23 =	sor.u32 $0xA200, s16;
	v1 =	vadd.f32 v6, v1;
	v6 =	vld [tilespmem:s22+$0x0]  }
0xdb: {  	s22 =	sor.u32 s17, s23;
	v8 =	vld [tilespmem:s20+$0x0];
	s20 =	sor.u32 s15, s23;
	v0 =	vadd.f32 v4, v0  }
0xdc: {  	s23 =	sor.u32 $0xA280, s16;
	v2 =	vadd.f32 v7, v1;
	v7 =	vld [tilespmem:s22+$0x0]  }
.Ltmp2:
0xdd: {  	s22 =	sor.u32 s15, s23;
	v1 =	vld [tilespmem:s21+$0x0];
	v3 =	vadd.f32 v3, v0;
	s21 =	sor.u32 s17, s23;
	(pc) =	sbr.rel @p0 .LBB2_7-.Ltmp2, $4  }
0xde: {  	s23 =	sor.u32 $0xA300, s16;
	v4 =	vadd.f32 v5, v2;
	v0 =	vld [tilespmem:s21+$0x0]  }
0xdf: {  	v2 =	vld [tilespmem:s20+$0x0];
	s20 =	sor.u32 s15, s23;
	v5 =	vadd.f32 v6, v3;
	s23 =	sor.u32 s17, s23  }
0xe0: {  	s21 =	sor.u32 $0xA380, s16;
	v6 =	vadd.f32 v8, v4;
	v3 =	vld [tilespmem:s23+$0x0]  }
0xe1: {  	s18 =	sadd.s32 $0x100, s18;
	s19 =	sadd.s32 $0x20, s19;
	v4 =	vld [tilespmem:s22+$0x0];
	v5 =	vadd.f32 v7, v5;
	s22 =	sor.u32 s17, s21  }
0xe2: {  	v1 =	vadd.f32 v1, v6  }
0xe3: {  	v6 =	vld [tilespmem:s20+$0x0]  }
0xe4: {  	s14 =	sor.u32 s15, s21;
	v7 =	vld [tilespmem:s22+$0x0];
	v1 =	vadd.f32 v2, v1  }
0xe5: {  	v0 =	vadd.f32 v0, v5;
	v2 =	vld [tilespmem:s14+$0x0]  }
0xe6: {  	v1 =	vadd.f32 v4, v1  }
0xe7: {  	v0 =	vadd.f32 v3, v0  }
0xe8: {  	v1 =	vadd.f32 v6, v1  }
0xe9: {  	v0 =	vadd.f32 v7, v0  }
0xea: {  	s16 =	sadd.s32 s16, s10;
	v1 =	vadd.f32 v2, v1  }
0xeb: {  	s14 =	sadd.s32 $0x100, s16;
	v0 =	vmul.f32 $6.250000000e-02, v0  }
0xec: {  	s17 =	sadd.s32 s17, s14;
	v1 =	vmul.f32 $6.250000000e-02, v1  }
0xed: {  	s18 =	sor.u32 $0xC000, s12;
	s14 =	sadd.s32 s15, s14;
	[tilespmem:s17+$0x0] =	vst v0  }
0xee: {  	s19 =	sor.u32 $0xC080, s12;
	s20 =	sor.u32 s13, s18;
	[tilespmem:s14+$0x0] =	vst v1  }
0xef: {  	s21 =	sor.u32 s13, s19;
	v0 =	vld [tilespmem:s20+$0x0]  }
0xf0: {  	s22 =	sor.u32 $0xC100, s12;
	s15 =	sor.u32 s11, s18;
	v1 =	vld [tilespmem:s21+$0x0]  }
0xf1: {  	s23 =	sor.u32 s13, s22;
	v2 =	vld [tilespmem:s15+$0x0]  }
0xf2: {  	s24 =	sor.u32 $0xC180, s12;
	s14 =	sor.u32 s11, s19;
	v3 =	vld [tilespmem:s23+$0x0]  }
0xf3: {  	s25 =	sor.u32 s13, s24;
	v4 =	vld [tilespmem:s14+$0x0]  }
0xf4: {  	s28 =	sor.u32 $0xC200, s12;
	s26 =	sor.u32 s11, s22;
	v5 =	vld [tilespmem:s25+$0x0]  }
0xf5: {  	s29 =	sor.u32 s13, s28;
	v6 =	vld [tilespmem:s26+$0x0];
	v0 =	vadd.f32 v1, v0  }
0xf6: {  	s31 =	sor.u32 $0xC280, s12;
	s30 =	sor.u32 s11, s24;
	v1 =	vld [tilespmem:s29+$0x0]  }
0xf7: {  	v7 =	vld [tilespmem:s30+$0x0];
	s15 =	sor.u32 s13, s31;
	v0 =	vadd.f32 v3, v0  }
0xf8: {  	s18 =	sor.u32 $0xC300, s12;
	s17 =	sor.u32 s11, s28;
	v2 =	vadd.f32 v4, v2;
	v3 =	vld [tilespmem:s15+$0x0]  }
0xf9: {  	s19 =	sor.u32 s13, s18;
	v4 =	vld [tilespmem:s17+$0x0];
	v0 =	vadd.f32 v5, v0  }
0xfa: {  	s20 =	sor.u32 s11, s31;
	s21 =	sor.u32 $0xC380, s12;
	v2 =	vadd.f32 v6, v2;
	v5 =	vld [tilespmem:s19+$0x0]  }
0xfb: {  	s22 =	sor.u32 s13, s21;
	v6 =	vld [tilespmem:s20+$0x0];
	v0 =	vadd.f32 v1, v0  }
0xfc: {  	s24 =	sor.u32 $0xE000, s12;
	s23 =	sor.u32 s11, s18;
	v2 =	vadd.f32 v7, v2;
	v1 =	vld [tilespmem:s22+$0x0]  }
0xfd: {  	s25 =	sor.u32 s13, s24;
	v7 =	vld [tilespmem:s23+$0x0];
	v0 =	vadd.f32 v3, v0  }
0xfe: {  	s28 =	sor.u32 $0xE080, s12;
	s26 =	sor.u32 s11, s21;
	v2 =	vadd.f32 v4, v2;
	v3 =	vld [tilespmem:s25+$0x0]  }
0xff: {  	s29 =	sor.u32 s13, s28;
	v4 =	vld [tilespmem:s26+$0x0];
	v0 =	vadd.f32 v5, v0  }
0x100: {  	s30 =	sor.u32 s11, s24;
	s31 =	sor.u32 $0xE100, s12;
	v2 =	vadd.f32 v6, v2;
	v5 =	vld [tilespmem:s29+$0x0]  }
0x101: {  	s18 =	sor.u32 s13, s31;
	v6 =	vld [tilespmem:s30+$0x0];
	v0 =	vadd.f32 v1, v0  }
0x102: {  	v8 =	vld [tilespmem:s18+$0x0];
	s20 =	sor.u32 $0xE180, s12;
	s19 =	sor.u32 s11, s28;
	v1 =	vadd.f32 v7, v2  }
0x103: {  	s21 =	sor.u32 s13, s20;
	v2 =	vld [tilespmem:s19+$0x0];
	v0 =	vadd.f32 v3, v0  }
0x104: {  	s23 =	sor.u32 $0xE200, s12;
	s22 =	sor.u32 s11, s31;
	v3 =	vld [tilespmem:s21+$0x0];
	v1 =	vadd.f32 v4, v1  }
0x105: {  	s24 =	sor.u32 s13, s23;
	v4 =	vld [tilespmem:s22+$0x0];
	v0 =	vadd.f32 v5, v0  }
0x106: {  	s26 =	sor.u32 $0xE280, s12;
	s25 =	sor.u32 s11, s20;
	v5 =	vld [tilespmem:s24+$0x0];
	v6 =	vadd.f32 v6, v1  }
0x107: {  	s28 =	sor.u32 s13, s26;
	v1 =	vld [tilespmem:s25+$0x0];
	v7 =	vadd.f32 v8, v0  }
0x108: {  	s30 =	sor.u32 $0xE300, s12;
	s29 =	sor.u32 s11, s23;
	v0 =	vld [tilespmem:s28+$0x0];
	v6 =	vadd.f32 v2, v6  }
0x109: {  	s14 =	simm.s32 $0x0;
	s31 =	sor.u32 s13, s30;
	v2 =	vld [tilespmem:s29+$0x0];
	v7 =	vadd.f32 v3, v7  }
0x10a: {  	s18 =	sor.u32 $0xE380, s12;
	s15 =	simm.s32 $0x100;
	s16 =	sor.u32 s11, s26;
	v3 =	vld [tilespmem:s31+$0x0];
	v6 =	vadd.f32 v4, v6  }
0x10b: {  	s17 =	sor.u32 s11, s30;
	s19 =	sor.u32 s13, s18;
	v4 =	vld [tilespmem:s16+$0x0];
	s16 =	simm.s32 $0x20;
	v5 =	vadd.f32 v5, v7  }
.LBB2_9:
0x10c: {  	s20 =	sand.u32 $0x60, s16;
	s21 =	sand.u32 $0x1C00, s15;
	v1 =	vadd.f32 v1, v6;
	s18 =	sor.u32 s11, s18;
	v6 =	vld [tilespmem:s19+$0x0]  }
0x10d: {  	s14 =	sadd.s32 $0x2, s14;
	s19 =	sor.u32 $0xC000, s21;
	s22 =	sor.u32 $0x10, s20;
	v7 =	vld [tilespmem:s17+$0x0];
	v0 =	vadd.f32 v0, v5  }
0x10e: {  	s17 =	sor.u32 $0xC080, s21;
	p0 =	slt.u32 s14, $0x3E;
	s23 =	sor.u32 s22, s19;
	v1 =	vadd.f32 v2, v1;
	v2 =	vld [tilespmem:s18+$0x0]  }
0x10f: {  	s18 =	sor.u32 s20, s19;
	s19 =	sor.u32 s20, s17;
	s17 =	sor.u32 s22, s17;
	v5 =	vld [tilespmem:s23+$0x0];
	v0 =	vadd.f32 v3, v0  }
0x110: {  	s23 =	sor.u32 $0xC100, s21;
	v3 =	vld [tilespmem:s17+$0x0];
	v1 =	vadd.f32 v4, v1  }
0x111: {  	s17 =	sor.u32 s20, s23;
	v4 =	vld [tilespmem:s18+$0x0];
	s18 =	sor.u32 s22, s23;
	v0 =	vadd.f32 v6, v0  }
0x112: {  	s23 =	sor.u32 $0xC180, s21;
	v6 =	vld [tilespmem:s18+$0x0];
	v1 =	vadd.f32 v7, v1;
	s18 =	sadd.s32 s12, s10;
	s12 =	smov.u32 s21  }
0x113: {  	s21 =	sor.u32 s22, s23;
	v7 =	vld [tilespmem:s19+$0x0];
	s19 =	sor.u32 s20, s23;
	s18 =	sadd.s32 $0x180, s18;
	v0 =	vmul.f32 $6.250000000e-02, v0  }
0x114: {  	s23 =	sor.u32 $0xC200, s12;
	v8 =	vld [tilespmem:s21+$0x0];
	v1 =	vadd.f32 v2, v1;
	s21 =	sadd.s32 s11, s18;
	s11 =	sadd.s32 s13, s18  }
0x115: {  	s13 =	sor.u32 s22, s23;
	v2 =	vld [tilespmem:s17+$0x0];
	s17 =	sor.u32 s20, s23;
	v3 =	vadd.f32 v3, v5;
	[tilespmem:s11+$0x0] =	vst v0;
	s11 =	smov.u32 s20  }
0x116: {  	s18 =	sor.u32 $0xC280, s12;
	v0 =	vld [tilespmem:s13+$0x0];
	v1 =	vmul.f32 $6.250000000e-02, v1;
	s13 =	smov.u32 s22  }
0x117: {  	v5 =	vld [tilespmem:s19+$0x0];
	s19 =	sor.u32 s11, s18;
	v3 =	vadd.f32 v6, v3;
	s18 =	sor.u32 s13, s18  }
0x118: {  	s20 =	sor.u32 $0xC300, s12;
	v4 =	vadd.f32 v7, v4;
	v6 =	vld [tilespmem:s18+$0x0];
	[tilespmem:s21+$0x0] =	vst v1  }
0x119: {  	s18 =	sor.u32 s13, s20;
	v1 =	vld [tilespmem:s17+$0x0];
	s17 =	sor.u32 s11, s20;
	v3 =	vadd.f32 v8, v3  }
0x11a: {  	s20 =	sor.u32 $0xC380, s12;
	v2 =	vadd.f32 v2, v4;
	v4 =	vld [tilespmem:s18+$0x0]  }
0x11b: {  	s18 =	sor.u32 s11, s20;
	v7 =	vld [tilespmem:s19+$0x0];
	v0 =	vadd.f32 v0, v3;
	s19 =	sor.u32 s13, s20  }
0x11c: {  	s20 =	sor.u32 $0xE000, s12;
	v2 =	vadd.f32 v5, v2;
	v3 =	vld [tilespmem:s19+$0x0]  }
0x11d: {  	s19 =	sor.u32 s13, s20;
	v5 =	vld [tilespmem:s17+$0x0];
	s17 =	sor.u32 s11, s20;
	v0 =	vadd.f32 v6, v0  }
0x11e: {  	s20 =	sor.u32 $0xE080, s12;
	v1 =	vadd.f32 v1, v2;
	v2 =	vld [tilespmem:s19+$0x0]  }
0x11f: {  	s19 =	sor.u32 s13, s20;
	v6 =	vld [tilespmem:s18+$0x0];
	s18 =	sor.u32 s11, s20;
	v0 =	vadd.f32 v4, v0  }
0x120: {  	s20 =	sor.u32 $0xE100, s12;
	v1 =	vadd.f32 v7, v1;
	v4 =	vld [tilespmem:s19+$0x0]  }
0x121: {  	s19 =	sor.u32 s13, s20;
	v7 =	vld [tilespmem:s17+$0x0];
	s17 =	sor.u32 s11, s20;
	v0 =	vadd.f32 v3, v0  }
0x122: {  	s20 =	sor.u32 $0xE180, s12;
	v1 =	vadd.f32 v5, v1;
	v3 =	vld [tilespmem:s19+$0x0]  }
0x123: {  	s19 =	sor.u32 s13, s20;
	v5 =	vld [tilespmem:s18+$0x0];
	s18 =	sor.u32 s11, s20;
	v0 =	vadd.f32 v2, v0  }
0x124: {  	s20 =	sor.u32 $0xE200, s12;
	v1 =	vadd.f32 v6, v1;
	v6 =	vld [tilespmem:s19+$0x0]  }
0x125: {  	s19 =	sor.u32 s13, s20;
	v8 =	vld [tilespmem:s17+$0x0];
	s17 =	sor.u32 s11, s20;
	v0 =	vadd.f32 v4, v0  }
0x126: {  	s20 =	sor.u32 $0xE280, s12;
	v2 =	vadd.f32 v7, v1;
	v7 =	vld [tilespmem:s19+$0x0]  }
.Ltmp3:
0x127: {  	s19 =	sor.u32 s11, s20;
	v1 =	vld [tilespmem:s18+$0x0];
	v3 =	vadd.f32 v3, v0;
	s18 =	sor.u32 s13, s20;
	(pc) =	sbr.rel @p0 .LBB2_9-.Ltmp3, $4  }
0x128: {  	s20 =	sor.u32 $0xE300, s12;
	v4 =	vadd.f32 v5, v2;
	v0 =	vld [tilespmem:s18+$0x0]  }
0x129: {  	v2 =	vld [tilespmem:s17+$0x0];
	s17 =	sor.u32 s11, s20;
	v5 =	vadd.f32 v6, v3;
	s20 =	sor.u32 s13, s20  }
0x12a: {  	s18 =	sor.u32 $0xE380, s12;
	v6 =	vadd.f32 v8, v4;
	v3 =	vld [tilespmem:s20+$0x0]  }
0x12b: {  	s15 =	sadd.s32 $0x100, s15;
	s16 =	sadd.s32 $0x20, s16;
	v4 =	vld [tilespmem:s19+$0x0];
	v5 =	vadd.f32 v7, v5;
	s19 =	sor.u32 s13, s18  }
0x12c: {  	v1 =	vadd.f32 v1, v6  }
0x12d: {  	v62 =	vld [tilespmem:s17+$0x0]  }
0x12e: {  	s14 =	sor.u32 s11, s18;
	v7 =	vld [tilespmem:s19+$0x0];
	v1 =	vadd.f32 v2, v1  }
0x12f: {  	v0 =	vadd.f32 v0, v5;
	v63 =	vld [tilespmem:s14+$0x0]  }
0x130: {  	v1 =	vadd.f32 v4, v1  }
0x131: {  	v0 =	vadd.f32 v3, v0  }
0x132: {  	s9 =	sadd.s32 $0x1, s9;
	v1 =	vadd.f32 v62, v1  }
0x133: {  	p0 =	sne.s32 s9, $0x8;
	v0 =	vadd.f32 v7, v0  }
.Ltmp4:
0x134: {  	s10 =	sadd.s32 s12, s10;
	v1 =	vadd.f32 v63, v1;
	(pc) =	sbr.rel @p0 .LBB2_2-.Ltmp4, $4  }
0x135: {  	s10 =	sadd.s32 $0x180, s10;
	v0 =	vmul.f32 $6.250000000e-02, v0  }
0x136: {  	s31 =	sadd.s32 s13, s10;
	v1 =	vmul.f32 $6.250000000e-02, v1  }
0x137: {  	s10 =	sadd.s32 s11, s10;
	[tilespmem:s31+$0x0] =	vst v0  }
0x138: {  	[tilespmem:s10+$0x0] =	vst v1  }
0x139: {  	s8 =	sadd.s32 $0x1, s8  }
0x13a: {  	p0 =	sne.s32 s8, s5  }
.Ltmp5:
0x13b: {  	_ = 	snop;
	(pc) =	sbr.rel @p0 .LBB2_1-.Ltmp5, $4  }
0x13c: {  	[hbm4b:s4+s2] =	stream.linear.scatter [tilespmem:s7], [sflag:$0x1], $0x8000, $0x38;
	[tilespmem:$0x18000] =	vst v63  }
0x13d: {  	_ =	swait.ge [sflag:s6], $0x8000  }
0x13e: {  	[sflag:s6] =	ssyncset.done $0x0  }
0x13f: {  	[sflag:s6] =	ssyncadd.s32 $0xFFFF8000  }
0x140: {  	_ =	sfence.sel $0x180000  }
0x141: {  	[bflag:$0x0] =	sbarrier.arrive $0xFFFF  }
0x142: {  	p0 =	sne.s32 s1, $0x0;
	_ =	strace $0x90000047  }
0x143: {  	s0 =	sadd.s32 @!p0 $0x100000, s0;
	[bflag:$0x2] =	sbarrier.arrive $0xFFFF  }
0x144: {  	[sflag:s0] =	ssyncadd.tile.s32 @!p0 $0x1;
	_ =	shalt  }
.Lfunc_end2:
_tile_overlayer_lowered:
.L_overlay_start_2:
0x145: {  	(tag) =	ssettag $0x2  }
0x146: {  	s0 =	rddreg [dreg:$0x0];
	s2 =	stileid.u32  }
0x147: {  	s1 =	rddreg [dreg:$0x1];
	p0 =	sne.s32 s2, $0x0  }
0x148: {  	s3 =	rddreg [dreg:$0x2];
	[bflag:$0x3] =	sbarrier.arrive $0xFFFF;
	s2 =	simm.s32 @!p0 $0x1C02  }
0x149: {  	[timem:s3], [sflag:s2] =	dma.local @!p0 [hbm:s0], s1  }
0x14a: {  	s0 =	simm.s32 @!p0 $0x2  }
0x14b: {  	_ =	swait.ge @!p0 [sflag:s0], s1  }
0x14c: {  	s1 =	ssub.s32 @!p0 $0x0, s1;
	[sflag:s0] =	ssyncset.done @!p0 $0x0  }
0x14d: {  	[sflag:s0] =	ssyncadd.s32 @!p0 s1  }
0x14e: {  	[bflag:$0x3] =	sbarrier.arrive $0xFFFF  }
0x14f: {  	_ =	shalt  }

</sc_bundles>
